<compile_context>
chip_gen: v7x
topology: tpu7x:2x2x1
jax: 0.10.2.dev20260603
libtpu: 0.0.44.dev20260713+nightly
codegen_flags: <defaults>
</compile_context>

<pallas_src>
import functools

import jax
import jax.numpy as jnp
from jax import lax
from jax.experimental import pallas as pl
from jax.experimental.pallas import tpu as pltpu
from jax.experimental.pallas import tpu_sc as plsc

N_NODES = 10000
N_EDGES = 320000
DIM = 128

NUM_CORES = 2
NUM_SUBCORES = 16
NW = NUM_CORES * NUM_SUBCORES
CHUNK = 128
CH_PER_W = 79
E_PAD = NW * CH_PER_W * CHUNK
ACC_ROWS = 10240
ZROWS = ACC_ROWS // NUM_SUBCORES

BN = 2000
NB = N_NODES // BN


def _transform(x, wall):
    def body(x_ref, w_ref, o_ref):
        o_ref[0] = jnp.dot(x_ref[...], w_ref[0],
                           preferred_element_type=jnp.float32)

    return pl.pallas_call(
        body,
        grid=(NB, 9),
        in_specs=[
            pl.BlockSpec((BN, DIM), lambda i, r: (i, 0)),
            pl.BlockSpec((1, DIM, DIM), lambda i, r: (r, 0, 0)),
        ],
        out_specs=pl.BlockSpec((1, BN, DIM), lambda i, r: (r, i, 0)),
        out_shape=jax.ShapeDtypeStruct((9, N_NODES, DIM), jnp.float32),
    )(x, wall)


def _mid(parts, t_prev, b, wall):
    def body(p_ref, t_ref, b_ref, w_ref, o_ref):
        h = p_ref[0] + p_ref[1] + t_ref[0] + b_ref[...]
        h = jnp.maximum(h, 0.0)
        o_ref[0] = jnp.dot(h, w_ref[0], preferred_element_type=jnp.float32)

    return pl.pallas_call(
        body,
        grid=(NB, 9),
        in_specs=[
            pl.BlockSpec((2, BN, DIM), lambda i, r: (0, i, 0)),
            pl.BlockSpec((1, BN, DIM), lambda i, r: (8, i, 0)),
            pl.BlockSpec((1, DIM), lambda i, r: (0, 0)),
            pl.BlockSpec((1, DIM, DIM), lambda i, r: (r, 0, 0)),
        ],
        out_specs=pl.BlockSpec((1, BN, DIM), lambda i, r: (r, i, 0)),
        out_shape=jax.ShapeDtypeStruct((9, N_NODES, DIM), jnp.float32),
    )(parts, t_prev, b, wall)


def _final(parts, t_prev, b):
    def body(p_ref, t_ref, b_ref, o_ref):
        o_ref[...] = p_ref[0] + p_ref[1] + t_ref[0] + b_ref[...]

    return pl.pallas_call(
        body,
        grid=(NB,),
        in_specs=[
            pl.BlockSpec((2, BN, DIM), lambda i: (0, i, 0)),
            pl.BlockSpec((1, BN, DIM), lambda i: (8, i, 0)),
            pl.BlockSpec((1, DIM), lambda i: (0, 0)),
        ],
        out_specs=pl.BlockSpec((BN, DIM), lambda i: (i, 0)),
        out_shape=jax.ShapeDtypeStruct((N_NODES, DIM), jnp.float32),
    )(parts, t_prev, b)


def _sc_gather_scatter(t_flat, keys):
    mesh = plsc.VectorSubcoreMesh(core_axis_name="c", subcore_axis_name="s")

    @functools.partial(
        pl.kernel,
        mesh=mesh,
        out_type=jax.ShapeDtypeStruct((NUM_CORES, ACC_ROWS, DIM), jnp.float32),
        scratch_types=[
            pltpu.VMEM_SHARED((ACC_ROWS, DIM), jnp.float32),
            pltpu.SemaphoreType.DMA,
        ],
    )
    def k(t_hbm, key_hbm, out_hbm, acc_sh, sem):
        cid = lax.axis_index("c")
        sid = lax.axis_index("s")
        wid = cid * NUM_SUBCORES + sid

        def body(key_v, ga, da, gb, db, rows_v, rows2_v):
            pltpu.sync_copy(key_hbm.at[wid], key_v)

            @pl.loop(0, CHUNK)
            def _(r):
                @pl.loop(0, DIM // 16)
                def _(c):
                    rows_v[r, pl.ds(c * 16, 16)] = jnp.zeros((16,),
                                                             jnp.float32)

            @pl.loop(0, ZROWS // CHUNK)
            def _(z):
                pltpu.sync_copy(
                    rows_v, acc_sh.at[pl.ds(sid * ZROWS + z * CHUNK, CHUNK)])
            plsc.subcore_barrier()

            def unpack(j, g_ref, d_ref):
                @pl.loop(0, CHUNK // 16)
                def _(c):
                    v = key_v[j, pl.ds(c * 16, 16)]
                    g_ref[pl.ds(c * 16, 16)] = lax.shift_right_logical(v, 14)
                    d_ref[pl.ds(c * 16, 16)] = lax.bitwise_and(v, 16383)

            @pl.loop(0, CH_PER_W // 2)
            def _(j):
                unpack(2 * j, ga, da)
                unpack(2 * j + 1, gb, db)
                pltpu.async_copy(t_hbm.at[ga], rows_v, sem)
                pltpu.async_copy(t_hbm.at[gb], rows2_v, sem)
                pltpu.make_async_copy(t_hbm.at[ga], rows_v, sem).wait()
                pltpu.make_async_copy(t_hbm.at[gb], rows2_v, sem).wait()
                pltpu.sync_copy(rows_v, acc_sh.at[da], add=True)
                pltpu.sync_copy(rows2_v, acc_sh.at[db], add=True)

            unpack(CH_PER_W - 1, ga, da)
            pltpu.async_copy(t_hbm.at[ga], rows_v, sem).wait()
            pltpu.sync_copy(rows_v, acc_sh.at[da], add=True)
            plsc.subcore_barrier()

            pltpu.sync_copy(acc_sh.at[pl.ds(sid * ZROWS, ZROWS)],
                            out_hbm.at[cid, pl.ds(sid * ZROWS, ZROWS)])

        pl.run_scoped(
            body,
            pltpu.VMEM((CH_PER_W, CHUNK), jnp.int32),
            pltpu.VMEM((CHUNK,), jnp.int32),
            pltpu.VMEM((CHUNK,), jnp.int32),
            pltpu.VMEM((CHUNK,), jnp.int32),
            pltpu.VMEM((CHUNK,), jnp.int32),
            pltpu.VMEM((CHUNK, DIM), jnp.float32),
            pltpu.VMEM((CHUNK, DIM), jnp.float32),
        )

    return k(t_flat, keys)


def kernel(features, edge_index, rel_types, W1, W1_self, b1, W2, W2_self, b2):
    x = features.astype(jnp.float32)
    src = edge_index[0].astype(jnp.int32)
    dst = edge_index[1].astype(jnp.int32)
    rel = rel_types.astype(jnp.int32)

    gidx = rel * N_NODES + src
    pad = E_PAD - N_EDGES
    keys = gidx * 16384 + dst
    keys = jnp.concatenate(
        [keys, jnp.full((pad,), N_NODES, jnp.int32)])
    keys = keys.reshape(NW, CH_PER_W, CHUNK)

    wall1 = jnp.concatenate([W1, W1_self[None]], axis=0)
    wall2 = jnp.concatenate([W2, W2_self[None]], axis=0)

    t1 = _transform(x, wall1)
    p1 = _sc_gather_scatter(t1.reshape(9 * N_NODES, DIM), keys)
    t2 = _mid(p1, t1, b1.reshape(1, DIM), wall2)
    p2 = _sc_gather_scatter(t2.reshape(9 * N_NODES, DIM), keys)
    return _final(p2, t2, b2.reshape(1, DIM))

# --- scband reference (transcript-rebuilt; emitter-appended) ---
"""Pipeline reference for scband-rgcn-28252294873236 (READ-ONLY COPY).

The authoritative reference and input builder live on the scoring server;
editing this copy changes nothing except your own understanding.
"""

import jax, jax.numpy as jnp
import numpy as np

N_NODES = 10000
N_EDGES = 320000
NUM_RELS = 8
IN_DIM = 128
HID_DIM = 128
OUT_DIM = 128


def setup_inputs(seed: int = 0) -> dict:
    key = jax.random.key(seed)
    ks = jax.random.split(key, 10)
    features = jax.random.normal(ks[0], (N_NODES, IN_DIM), dtype=jnp.float32)
    edge_index = jax.random.randint(ks[1], (2, N_EDGES), 0, N_NODES, dtype=jnp.int64)
    rel_types = jax.random.randint(ks[2], (N_EDGES,), 0, NUM_RELS, dtype=jnp.int64)
    s1 = 1.0 / np.sqrt(IN_DIM)
    s2 = 1.0 / np.sqrt(HID_DIM)
    W1 = jax.random.normal(ks[3], (NUM_RELS, IN_DIM, HID_DIM), dtype=jnp.float32) * s1
    W1_self = jax.random.normal(ks[4], (IN_DIM, HID_DIM), dtype=jnp.float32) * s1
    b1 = jnp.zeros((HID_DIM,), dtype=jnp.float32)
    W2 = jax.random.normal(ks[5], (NUM_RELS, HID_DIM, OUT_DIM), dtype=jnp.float32) * s2
    W2_self = jax.random.normal(ks[6], (HID_DIM, OUT_DIM), dtype=jnp.float32) * s2
    b2 = jnp.zeros((OUT_DIM,), dtype=jnp.float32)
    return {
        "features": features,
        "edge_index": edge_index,
        "rel_types": rel_types,
        "W1": W1,
        "W1_self": W1_self,
        "b1": b1,
        "W2": W2,
        "W2_self": W2_self,
        "b2": b2,
    }


def _rel_graph_conv(x, edge_index, rel_types, W, W_self, b):
    # RelGraphConv (num_bases=-1, full per-relation weights):
    # h_i = sum_{r} sum_{j in N_r(i)} W_r x_j + W_0 x_i + b
    # Transform node features per relation first (avoids per-edge [in,out] weight gather),
    # then gather the (relation, src)-specific transformed message per edge.
    t = jnp.einsum('ni,rio->rno', x, W)  # [R, N, out]
    src = edge_index[0]
    dst = edge_index[1]
    msg = t[rel_types, src]  # gather -> [E, out]
    agg = jax.ops.segment_sum(msg, dst, num_segments=x.shape[0])  # scatter-add
    return agg + x @ W_self + b


def reference(features, edge_index, rel_types, W1, W1_self, b1, W2, W2_self, b2):
    h = _rel_graph_conv(features, edge_index, rel_types, W1, W1_self, b1)
    h = jax.nn.relu(h)
    h = _rel_graph_conv(h, edge_index, rel_types, W2, W2_self, b2)
    return h

if __name__ == "__main__":
    import jax
    _d = setup_inputs()
    print(jax.jit(kernel)(*tuple(_d.values())))

</pallas_src>

<mosaic_0001>
#map = affine_map<(d0, d1) -> (0, 0)>
#map1 = affine_map<(d0, d1) -> (0, 0, 0)>
module attributes {stable_mosaic.version = 14 : i64} {
  func.func @k(%arg0: i32, %arg1: i32, %arg2: memref<90000x128xf32, #tpu.memory_space<hbm>>, %arg3: memref<32x79x128xi32, #tpu.memory_space<hbm>>, %arg4: memref<2x10240x128xf32, #tpu.memory_space<hbm>>, %arg5: memref<10240x128xf32, #tpu.memory_space<vmem_shared>>, %arg6: memref<!tpu.dma_semaphore, #tpu.memory_space<semaphore_mem>>) attributes {dimension_semantics = [#tpu.dimension_semantics<core_parallel>, #tpu.dimension_semantics<subcore_parallel>], iteration_bounds = array<i64: 2, 16>, scalar_prefetch = 0 : i64, scratch_operands = 2 : i64, tpu.core_type = #tpu.core_type<sc_vector_subcore>, window_params = [{transform_indices = #map}, {transform_indices = #map1}, {transform_indices = #map1}]} {
    %mul3A = arith.constant 16 : i32
    %mul3A_0 = arith.muli %arg0, %mul3A : i32
    %add3A = arith.addi %mul3A_0, %arg1 : i32
    "tpu.region"() ({
      %run_scoped3A = memref.alloca() : memref<79x128xi32, #tpu.memory_space<vmem>>
      %run_scoped3A_1 = memref.alloca() : memref<128xi32, #tpu.memory_space<vmem>>
      %run_scoped3A_2 = memref.alloca() : memref<128xi32, #tpu.memory_space<vmem>>
      %run_scoped3A_3 = memref.alloca() : memref<128xi32, #tpu.memory_space<vmem>>
      %run_scoped3A_4 = memref.alloca() : memref<128xi32, #tpu.memory_space<vmem>>
      %run_scoped3A_5 = memref.alloca() : memref<128x128xf32, #tpu.memory_space<vmem>>
      %run_scoped3A_6 = memref.alloca() : memref<128x128xf32, #tpu.memory_space<vmem>>
      "tpu.region"() ({
        %run_scoped3A_35 = tpu.sem_alloc : memref<!tpu.dma_semaphore, #tpu.memory_space<semaphore_mem>>
        %dma_start3A_36 = arith.constant 0 : i32
        %dma_start3A_37 = arith.constant 0 : i32
        %dma_start3A_38 = tpu.memref_slice %arg3[%add3A, %dma_start3A_36, %dma_start3A_37] : memref<32x79x128xi32, #tpu.memory_space<hbm>> -> memref<1x79x128xi32, #tpu.memory_space<hbm>>
        %dma_start3A_39 = tpu.memref_squeeze %dma_start3A_38 : memref<1x79x128xi32, #tpu.memory_space<hbm>> -> memref<79x128xi32, #tpu.memory_space<hbm>>
        %dma_start3A_40 = arith.constant 0 : i32
        %dma_start3A_41 = arith.constant 0 : i32
        %dma_start3A_42 = tpu.memref_slice %arg3[%add3A, %dma_start3A_40, %dma_start3A_41] : memref<32x79x128xi32, #tpu.memory_space<hbm>> -> memref<1x79x128xi32, #tpu.memory_space<hbm>>
        %dma_start3A_43 = tpu.memref_squeeze %dma_start3A_42 : memref<1x79x128xi32, #tpu.memory_space<hbm>> -> memref<79x128xi32, #tpu.memory_space<hbm>>
        tpu.enqueue_dma source(%dma_start3A_43 : memref<79x128xi32, #tpu.memory_space<hbm>>) target(%run_scoped3A : memref<79x128xi32, #tpu.memory_space<vmem>>) target_semaphore(%run_scoped3A_35 : memref<!tpu.dma_semaphore, #tpu.memory_space<semaphore_mem>>)
        %dma_wait3A_44 = arith.constant 0 : i32
        %dma_wait3A_45 = arith.constant 0 : i32
        %dma_wait3A_46 = tpu.memref_slice %arg3[%add3A, %dma_wait3A_44, %dma_wait3A_45] : memref<32x79x128xi32, #tpu.memory_space<hbm>> -> memref<1x79x128xi32, #tpu.memory_space<hbm>>
        %dma_wait3A_47 = tpu.memref_squeeze %dma_wait3A_46 : memref<1x79x128xi32, #tpu.memory_space<hbm>> -> memref<79x128xi32, #tpu.memory_space<hbm>>
        %dma_wait3A_48 = arith.constant 0 : i32
        %dma_wait3A_49 = arith.constant 0 : i32
        %dma_wait3A_50 = tpu.memref_slice %arg3[%add3A, %dma_wait3A_48, %dma_wait3A_49] : memref<32x79x128xi32, #tpu.memory_space<hbm>> -> memref<1x79x128xi32, #tpu.memory_space<hbm>>
        %dma_wait3A_51 = tpu.memref_squeeze %dma_wait3A_50 : memref<1x79x128xi32, #tpu.memory_space<hbm>> -> memref<79x128xi32, #tpu.memory_space<hbm>>
        tpu.wait_dma2 semaphore(%run_scoped3A_35 : memref<!tpu.dma_semaphore, #tpu.memory_space<semaphore_mem>>) src(%dma_wait3A_51 : memref<79x128xi32, #tpu.memory_space<hbm>>) dst(%run_scoped3A : memref<79x128xi32, #tpu.memory_space<vmem>>)
        tpu.yield
      }) : () -> ()
      %scan3A = arith.constant 0 : i32
      %scan3A_7 = arith.constant 128 : i32
      %scan3A_8 = arith.addi %scan3A, %scan3A_7 : i32
      %scan3A_9 = arith.constant 1 : i32
      scf.for %scan3A_35 = %scan3A to %scan3A_8 step %scan3A_9  : i32 {
        %mul3A_36 = arith.constant 1 : i32
        %mul3A_37 = arith.muli %scan3A_35, %mul3A_36 : i32
        %add3A_38 = arith.constant 0 : i32
        %add3A_39 = arith.addi %add3A_38, %mul3A_37 : i32
        %scan3A_40 = arith.constant 0 : i32
        %scan3A_41 = arith.constant 8 : i32
        %scan3A_42 = arith.addi %scan3A_40, %scan3A_41 : i32
        %scan3A_43 = arith.constant 1 : i32
        scf.for %scan3A_45 = %scan3A_40 to %scan3A_42 step %scan3A_43  : i32 {
          %mul3A_46 = arith.constant 1 : i32
          %mul3A_47 = arith.muli %scan3A_45, %mul3A_46 : i32
          %add3A_48 = arith.constant 0 : i32
          %add3A_49 = arith.addi %add3A_48, %mul3A_47 : i32
          %broadcast_in_dim3A = arith.constant 0.000000e+00 : f32
          %broadcast_in_dim3A_50 = vector.broadcast %broadcast_in_dim3A : f32 to vector<16xf32>
          %mul3A_51 = arith.constant 16 : i32
          %mul3A_52 = arith.muli %add3A_49, %mul3A_51 : i32
          %swap3A = arith.index_cast %add3A_39 : i32 to index
          %swap3A_53 = arith.index_cast %mul3A_52 : i32 to index
          %swap3A_54 = tpu.vector_load %run_scoped3A_5[%swap3A, %swap3A_53] {strides = array<i32>} : memref<128x128xf32, #tpu.memory_space<vmem>>, vector<1x16xf32>,
          %swap3A_55 = vector.shape_cast %swap3A_54 : vector<1x16xf32> to vector<16xf32>
          %swap3A_56 = vector.shape_cast %broadcast_in_dim3A_50 : vector<16xf32> to vector<1x16xf32>
          tpu.vector_store %run_scoped3A_5[%swap3A, %swap3A_53], %swap3A_56 {strides = array<i32>} : memref<128x128xf32, #tpu.memory_space<vmem>>, vector<1x16xf32>,
        }
        %scan3A_44 = arith.constant 8 : i32
      }
      %scan3A_10 = arith.constant 128 : i32
      %scan3A_11 = arith.constant 0 : i32
      %scan3A_12 = arith.constant 5 : i32
      %scan3A_13 = arith.addi %scan3A_11, %scan3A_12 : i32
      %scan3A_14 = arith.constant 1 : i32
      scf.for %scan3A_35 = %scan3A_11 to %scan3A_13 step %scan3A_14  : i32 {
        %mul3A_36 = arith.constant 1 : i32
        %mul3A_37 = arith.muli %scan3A_35, %mul3A_36 : i32
        %add3A_38 = arith.constant 0 : i32
        %add3A_39 = arith.addi %add3A_38, %mul3A_37 : i32
        %mul3A_40 = arith.constant 640 : i32
        %mul3A_41 = arith.muli %arg1, %mul3A_40 : i32
        %mul3A_42 = arith.constant 128 : i32
        %mul3A_43 = arith.muli %add3A_39, %mul3A_42 : i32
        %add3A_44 = arith.addi %mul3A_41, %mul3A_43 : i32
        "tpu.region"() ({
          %run_scoped3A_45 = tpu.sem_alloc : memref<!tpu.dma_semaphore, #tpu.memory_space<semaphore_mem>>
          %dma_start3A_46 = arith.constant 0 : i32
          %dma_start3A_47 = tpu.memref_slice %arg5[%add3A_44, %dma_start3A_46] : memref<10240x128xf32, #tpu.memory_space<vmem_shared>> -> memref<128x128xf32, #tpu.memory_space<vmem_shared>>
          %dma_start3A_48 = arith.constant 0 : i32
          %dma_start3A_49 = tpu.memref_slice %arg5[%add3A_44, %dma_start3A_48] : memref<10240x128xf32, #tpu.memory_space<vmem_shared>> -> memref<128x128xf32, #tpu.memory_space<vmem_shared>>
          tpu.enqueue_dma source(%run_scoped3A_5 : memref<128x128xf32, #tpu.memory_space<vmem>>) target(%dma_start3A_49 : memref<128x128xf32, #tpu.memory_space<vmem_shared>>) target_semaphore(%run_scoped3A_45 : memref<!tpu.dma_semaphore, #tpu.memory_space<semaphore_mem>>)
          %dma_wait3A_50 = arith.constant 0 : i32
          %dma_wait3A_51 = tpu.memref_slice %arg5[%add3A_44, %dma_wait3A_50] : memref<10240x128xf32, #tpu.memory_space<vmem_shared>> -> memref<128x128xf32, #tpu.memory_space<vmem_shared>>
          %dma_wait3A_52 = arith.constant 0 : i32
          %dma_wait3A_53 = tpu.memref_slice %arg5[%add3A_44, %dma_wait3A_52] : memref<10240x128xf32, #tpu.memory_space<vmem_shared>> -> memref<128x128xf32, #tpu.memory_space<vmem_shared>>
          tpu.wait_dma2 semaphore(%run_scoped3A_45 : memref<!tpu.dma_semaphore, #tpu.memory_space<semaphore_mem>>) src(%run_scoped3A_5 : memref<128x128xf32, #tpu.memory_space<vmem>>) dst(%dma_wait3A_53 : memref<128x128xf32, #tpu.memory_space<vmem_shared>>)
          tpu.yield
        }) : () -> ()
      }
      %scan3A_15 = arith.constant 5 : i32
      %barrier3A = arith.constant 0 : index
      tpu.barrier barrier_id(%barrier3A)
      %scan3A_16 = arith.constant 0 : i32
      %scan3A_17 = arith.constant 39 : i32
      %scan3A_18 = arith.addi %scan3A_16, %scan3A_17 : i32
      %scan3A_19 = arith.constant 1 : i32
      scf.for %scan3A_35 = %scan3A_16 to %scan3A_18 step %scan3A_19  : i32 {
        %mul3A_36 = arith.constant 1 : i32
        %mul3A_37 = arith.muli %scan3A_35, %mul3A_36 : i32
        %add3A_38 = arith.constant 0 : i32
        %add3A_39 = arith.addi %add3A_38, %mul3A_37 : i32
        %mul3A_40 = arith.constant 2 : i32
        %mul3A_41 = arith.muli %mul3A_40, %add3A_39 : i32
        %scan3A_42 = arith.constant 0 : i32
        %scan3A_43 = arith.constant 8 : i32
        %scan3A_44 = arith.addi %scan3A_42, %scan3A_43 : i32
        %scan3A_45 = arith.constant 1 : i32
        scf.for %scan3A_68 = %scan3A_42 to %scan3A_44 step %scan3A_45  : i32 {
          %mul3A_69 = arith.constant 1 : i32
          %mul3A_70 = arith.muli %scan3A_68, %mul3A_69 : i32
          %add3A_71 = arith.constant 0 : i32
          %add3A_72 = arith.addi %add3A_71, %mul3A_70 : i32
          %mul3A_73 = arith.constant 16 : i32
          %mul3A_74 = arith.muli %add3A_72, %mul3A_73 : i32
          %get3A = arith.index_cast %mul3A_41 : i32 to index
          %get3A_75 = arith.index_cast %mul3A_74 : i32 to index
          %get3A_76 = tpu.vector_load %run_scoped3A[%get3A, %get3A_75] {strides = array<i32>} : memref<79x128xi32, #tpu.memory_space<vmem>>, vector<1x16xi32>,
          %get3A_77 = vector.shape_cast %get3A_76 : vector<1x16xi32> to vector<16xi32>
          %shift_right_logical3A = arith.constant 14 : i32
          %shift_right_logical3A_78 = vector.broadcast %shift_right_logical3A : i32 to vector<16xi32>
          %shift_right_logical3A_79 = arith.shrui %get3A_77, %shift_right_logical3A_78 : vector<16xi32>
          %mul3A_80 = arith.constant 16 : i32
          %mul3A_81 = arith.muli %add3A_72, %mul3A_80 : i32
          %swap3A = arith.index_cast %mul3A_81 : i32 to index
          %swap3A_82 = tpu.vector_load %run_scoped3A_1[%swap3A] {strides = array<i32>} : memref<128xi32, #tpu.memory_space<vmem>>, vector<16xi32>,
          %swap3A_83 = vector.shape_cast %swap3A_82 : vector<16xi32> to vector<16xi32>
          %swap3A_84 = vector.shape_cast %shift_right_logical3A_79 : vector<16xi32> to vector<16xi32>
          tpu.vector_store %run_scoped3A_1[%swap3A], %swap3A_84 {strides = array<i32>} : memref<128xi32, #tpu.memory_space<vmem>>, vector<16xi32>,
          %and3A = arith.constant 16383 : i32
          %and3A_85 = vector.broadcast %and3A : i32 to vector<16xi32>
          %and3A_86 = arith.andi %get3A_77, %and3A_85 : vector<16xi32>
          %mul3A_87 = arith.constant 16 : i32
          %mul3A_88 = arith.muli %add3A_72, %mul3A_87 : i32
          %swap3A_89 = arith.index_cast %mul3A_88 : i32 to index
          %swap3A_90 = tpu.vector_load %run_scoped3A_2[%swap3A_89] {strides = array<i32>} : memref<128xi32, #tpu.memory_space<vmem>>, vector<16xi32>,
          %swap3A_91 = vector.shape_cast %swap3A_90 : vector<16xi32> to vector<16xi32>
          %swap3A_92 = vector.shape_cast %and3A_86 : vector<16xi32> to vector<16xi32>
          tpu.vector_store %run_scoped3A_2[%swap3A_89], %swap3A_92 {strides = array<i32>} : memref<128xi32, #tpu.memory_space<vmem>>, vector<16xi32>,
        }
        %scan3A_46 = arith.constant 8 : i32
        %mul3A_47 = arith.constant 2 : i32
        %mul3A_48 = arith.muli %mul3A_47, %add3A_39 : i32
        %add3A_49 = arith.constant 1 : i32
        %add3A_50 = arith.addi %mul3A_48, %add3A_49 : i32
        %scan3A_51 = arith.constant 0 : i32
        %scan3A_52 = arith.constant 8 : i32
        %scan3A_53 = arith.addi %scan3A_51, %scan3A_52 : i32
        %scan3A_54 = arith.constant 1 : i32
        scf.for %scan3A_68 = %scan3A_51 to %scan3A_53 step %scan3A_54  : i32 {
          %mul3A_69 = arith.constant 1 : i32
          %mul3A_70 = arith.muli %scan3A_68, %mul3A_69 : i32
          %add3A_71 = arith.constant 0 : i32
          %add3A_72 = arith.addi %add3A_71, %mul3A_70 : i32
          %mul3A_73 = arith.constant 16 : i32
          %mul3A_74 = arith.muli %add3A_72, %mul3A_73 : i32
          %get3A = arith.index_cast %add3A_50 : i32 to index
          %get3A_75 = arith.index_cast %mul3A_74 : i32 to index
          %get3A_76 = tpu.vector_load %run_scoped3A[%get3A, %get3A_75] {strides = array<i32>} : memref<79x128xi32, #tpu.memory_space<vmem>>, vector<1x16xi32>,
          %get3A_77 = vector.shape_cast %get3A_76 : vector<1x16xi32> to vector<16xi32>
          %shift_right_logical3A = arith.constant 14 : i32
          %shift_right_logical3A_78 = vector.broadcast %shift_right_logical3A : i32 to vector<16xi32>
          %shift_right_logical3A_79 = arith.shrui %get3A_77, %shift_right_logical3A_78 : vector<16xi32>
          %mul3A_80 = arith.constant 16 : i32
          %mul3A_81 = arith.muli %add3A_72, %mul3A_80 : i32
          %swap3A = arith.index_cast %mul3A_81 : i32 to index
          %swap3A_82 = tpu.vector_load %run_scoped3A_3[%swap3A] {strides = array<i32>} : memref<128xi32, #tpu.memory_space<vmem>>, vector<16xi32>,
          %swap3A_83 = vector.shape_cast %swap3A_82 : vector<16xi32> to vector<16xi32>
          %swap3A_84 = vector.shape_cast %shift_right_logical3A_79 : vector<16xi32> to vector<16xi32>
          tpu.vector_store %run_scoped3A_3[%swap3A], %swap3A_84 {strides = array<i32>} : memref<128xi32, #tpu.memory_space<vmem>>, vector<16xi32>,
          %and3A = arith.constant 16383 : i32
          %and3A_85 = vector.broadcast %and3A : i32 to vector<16xi32>
          %and3A_86 = arith.andi %get3A_77, %and3A_85 : vector<16xi32>
          %mul3A_87 = arith.constant 16 : i32
          %mul3A_88 = arith.muli %add3A_72, %mul3A_87 : i32
          %swap3A_89 = arith.index_cast %mul3A_88 : i32 to index
          %swap3A_90 = tpu.vector_load %run_scoped3A_4[%swap3A_89] {strides = array<i32>} : memref<128xi32, #tpu.memory_space<vmem>>, vector<16xi32>,
          %swap3A_91 = vector.shape_cast %swap3A_90 : vector<16xi32> to vector<16xi32>
          %swap3A_92 = vector.shape_cast %and3A_86 : vector<16xi32> to vector<16xi32>
          tpu.vector_store %run_scoped3A_4[%swap3A_89], %swap3A_92 {strides = array<i32>} : memref<128xi32, #tpu.memory_space<vmem>>, vector<16xi32>,
        }
        %scan3A_55 = arith.constant 8 : i32
        %dma_start3A_56 = arith.constant 0 : i32
        %dma_start3A_57 = arith.constant 0 : i32
        %dma_start3A_58 = tpu.memref_slice %arg2[%dma_start3A_56, %dma_start3A_57] : memref<90000x128xf32, #tpu.memory_space<hbm>> -> memref<90000x128xf32, #tpu.memory_space<hbm>>
        tpu.enqueue_indirect_dma source(%dma_start3A_58 : memref<90000x128xf32, #tpu.memory_space<hbm>>) target(%run_scoped3A_5 : memref<128x128xf32, #tpu.memory_space<vmem>>) offsets(%run_scoped3A_1 : memref<128xi32, #tpu.memory_space<vmem>>) semaphore(%arg6 : memref<!tpu.dma_semaphore, #tpu.memory_space<semaphore_mem>>)
        %dma_start3A_59 = arith.constant 0 : i32
        %dma_start3A_60 = arith.constant 0 : i32
        %dma_start3A_61 = tpu.memref_slice %arg2[%dma_start3A_59, %dma_start3A_60] : memref<90000x128xf32, #tpu.memory_space<hbm>> -> memref<90000x128xf32, #tpu.memory_space<hbm>>
        tpu.enqueue_indirect_dma source(%dma_start3A_61 : memref<90000x128xf32, #tpu.memory_space<hbm>>) target(%run_scoped3A_6 : memref<128x128xf32, #tpu.memory_space<vmem>>) offsets(%run_scoped3A_3 : memref<128xi32, #tpu.memory_space<vmem>>) semaphore(%arg6 : memref<!tpu.dma_semaphore, #tpu.memory_space<semaphore_mem>>)
        %dma_wait3A_62 = arith.constant 0 : i32
        %dma_wait3A_63 = arith.constant 0 : i32
        %dma_wait3A_64 = tpu.memref_slice %arg2[%dma_wait3A_62, %dma_wait3A_63] : memref<90000x128xf32, #tpu.memory_space<hbm>> -> memref<90000x128xf32, #tpu.memory_space<hbm>>
        tpu.wait_indirect_dma semaphore(%arg6 : memref<!tpu.dma_semaphore, #tpu.memory_space<semaphore_mem>>) src(%dma_wait3A_64 : memref<90000x128xf32, #tpu.memory_space<hbm>>) dst(%run_scoped3A_5 : memref<128x128xf32, #tpu.memory_space<vmem>>)
        %dma_wait3A_65 = arith.constant 0 : i32
        %dma_wait3A_66 = arith.constant 0 : i32
        %dma_wait3A_67 = tpu.memref_slice %arg2[%dma_wait3A_65, %dma_wait3A_66] : memref<90000x128xf32, #tpu.memory_space<hbm>> -> memref<90000x128xf32, #tpu.memory_space<hbm>>
        tpu.wait_indirect_dma semaphore(%arg6 : memref<!tpu.dma_semaphore, #tpu.memory_space<semaphore_mem>>) src(%dma_wait3A_67 : memref<90000x128xf32, #tpu.memory_space<hbm>>) dst(%run_scoped3A_6 : memref<128x128xf32, #tpu.memory_space<vmem>>)
        "tpu.region"() ({
          %run_scoped3A_68 = tpu.sem_alloc : memref<!tpu.dma_semaphore, #tpu.memory_space<semaphore_mem>>
          %dma_start3A_69 = arith.constant 0 : i32
          %dma_start3A_70 = arith.constant 0 : i32
          %dma_start3A_71 = tpu.memref_slice %arg5[%dma_start3A_69, %dma_start3A_70] : memref<10240x128xf32, #tpu.memory_space<vmem_shared>> -> memref<10240x128xf32, #tpu.memory_space<vmem_shared>>
          tpu.enqueue_indirect_dma source(%run_scoped3A_5 : memref<128x128xf32, #tpu.memory_space<vmem>>) target(%dma_start3A_71 : memref<10240x128xf32, #tpu.memory_space<vmem_shared>>) offsets(%run_scoped3A_2 : memref<128xi32, #tpu.memory_space<vmem>>) semaphore(%run_scoped3A_68 : memref<!tpu.dma_semaphore, #tpu.memory_space<semaphore_mem>>) {add = true}
          %dma_wait3A_72 = arith.constant 0 : i32
          %dma_wait3A_73 = arith.constant 0 : i32
          %dma_wait3A_74 = tpu.memref_slice %arg5[%dma_wait3A_72, %dma_wait3A_73] : memref<10240x128xf32, #tpu.memory_space<vmem_shared>> -> memref<10240x128xf32, #tpu.memory_space<vmem_shared>>
          tpu.wait_indirect_dma semaphore(%run_scoped3A_68 : memref<!tpu.dma_semaphore, #tpu.memory_space<semaphore_mem>>) src(%run_scoped3A_5 : memref<128x128xf32, #tpu.memory_space<vmem>>) dst(%dma_wait3A_74 : memref<10240x128xf32, #tpu.memory_space<vmem_shared>>)
          tpu.yield
        }) : () -> ()
        "tpu.region"() ({
          %run_scoped3A_68 = tpu.sem_alloc : memref<!tpu.dma_semaphore, #tpu.memory_space<semaphore_mem>>
          %dma_start3A_69 = arith.constant 0 : i32
          %dma_start3A_70 = arith.constant 0 : i32
          %dma_start3A_71 = tpu.memref_slice %arg5[%dma_start3A_69, %dma_start3A_70] : memref<10240x128xf32, #tpu.memory_space<vmem_shared>> -> memref<10240x128xf32, #tpu.memory_space<vmem_shared>>
          tpu.enqueue_indirect_dma source(%run_scoped3A_6 : memref<128x128xf32, #tpu.memory_space<vmem>>) target(%dma_start3A_71 : memref<10240x128xf32, #tpu.memory_space<vmem_shared>>) offsets(%run_scoped3A_4 : memref<128xi32, #tpu.memory_space<vmem>>) semaphore(%run_scoped3A_68 : memref<!tpu.dma_semaphore, #tpu.memory_space<semaphore_mem>>) {add = true}
          %dma_wait3A_72 = arith.constant 0 : i32
          %dma_wait3A_73 = arith.constant 0 : i32
          %dma_wait3A_74 = tpu.memref_slice %arg5[%dma_wait3A_72, %dma_wait3A_73] : memref<10240x128xf32, #tpu.memory_space<vmem_shared>> -> memref<10240x128xf32, #tpu.memory_space<vmem_shared>>
          tpu.wait_indirect_dma semaphore(%run_scoped3A_68 : memref<!tpu.dma_semaphore, #tpu.memory_space<semaphore_mem>>) src(%run_scoped3A_6 : memref<128x128xf32, #tpu.memory_space<vmem>>) dst(%dma_wait3A_74 : memref<10240x128xf32, #tpu.memory_space<vmem_shared>>)
          tpu.yield
        }) : () -> ()
      }
      %scan3A_20 = arith.constant 39 : i32
      %scan3A_21 = arith.constant 0 : i32
      %scan3A_22 = arith.constant 8 : i32
      %scan3A_23 = arith.addi %scan3A_21, %scan3A_22 : i32
      %scan3A_24 = arith.constant 1 : i32
      scf.for %scan3A_35 = %scan3A_21 to %scan3A_23 step %scan3A_24  : i32 {
        %mul3A_36 = arith.constant 1 : i32
        %mul3A_37 = arith.muli %scan3A_35, %mul3A_36 : i32
        %add3A_38 = arith.constant 0 : i32
        %add3A_39 = arith.addi %add3A_38, %mul3A_37 : i32
        %mul3A_40 = arith.constant 16 : i32
        %mul3A_41 = arith.muli %add3A_39, %mul3A_40 : i32
        %get3A = arith.constant 78 : i32
        %get3A_42 = arith.index_cast %get3A : i32 to index
        %get3A_43 = arith.index_cast %mul3A_41 : i32 to index
        %get3A_44 = tpu.vector_load %run_scoped3A[%get3A_42, %get3A_43] {strides = array<i32>} : memref<79x128xi32, #tpu.memory_space<vmem>>, vector<1x16xi32>,
        %get3A_45 = vector.shape_cast %get3A_44 : vector<1x16xi32> to vector<16xi32>
        %shift_right_logical3A = arith.constant 14 : i32
        %shift_right_logical3A_46 = vector.broadcast %shift_right_logical3A : i32 to vector<16xi32>
        %shift_right_logical3A_47 = arith.shrui %get3A_45, %shift_right_logical3A_46 : vector<16xi32>
        %mul3A_48 = arith.constant 16 : i32
        %mul3A_49 = arith.muli %add3A_39, %mul3A_48 : i32
        %swap3A = arith.index_cast %mul3A_49 : i32 to index
        %swap3A_50 = tpu.vector_load %run_scoped3A_1[%swap3A] {strides = array<i32>} : memref<128xi32, #tpu.memory_space<vmem>>, vector<16xi32>,
        %swap3A_51 = vector.shape_cast %swap3A_50 : vector<16xi32> to vector<16xi32>
        %swap3A_52 = vector.shape_cast %shift_right_logical3A_47 : vector<16xi32> to vector<16xi32>
        tpu.vector_store %run_scoped3A_1[%swap3A], %swap3A_52 {strides = array<i32>} : memref<128xi32, #tpu.memory_space<vmem>>, vector<16xi32>,
        %and3A = arith.constant 16383 : i32
        %and3A_53 = vector.broadcast %and3A : i32 to vector<16xi32>
        %and3A_54 = arith.andi %get3A_45, %and3A_53 : vector<16xi32>
        %mul3A_55 = arith.constant 16 : i32
        %mul3A_56 = arith.muli %add3A_39, %mul3A_55 : i32
        %swap3A_57 = arith.index_cast %mul3A_56 : i32 to index
        %swap3A_58 = tpu.vector_load %run_scoped3A_2[%swap3A_57] {strides = array<i32>} : memref<128xi32, #tpu.memory_space<vmem>>, vector<16xi32>,
        %swap3A_59 = vector.shape_cast %swap3A_58 : vector<16xi32> to vector<16xi32>
        %swap3A_60 = vector.shape_cast %and3A_54 : vector<16xi32> to vector<16xi32>
        tpu.vector_store %run_scoped3A_2[%swap3A_57], %swap3A_60 {strides = array<i32>} : memref<128xi32, #tpu.memory_space<vmem>>, vector<16xi32>,
      }
      %scan3A_25 = arith.constant 8 : i32
      %dma_start3A = arith.constant 0 : i32
      %dma_start3A_26 = arith.constant 0 : i32
      %dma_start3A_27 = tpu.memref_slice %arg2[%dma_start3A, %dma_start3A_26] : memref<90000x128xf32, #tpu.memory_space<hbm>> -> memref<90000x128xf32, #tpu.memory_space<hbm>>
      tpu.enqueue_indirect_dma source(%dma_start3A_27 : memref<90000x128xf32, #tpu.memory_space<hbm>>) target(%run_scoped3A_5 : memref<128x128xf32, #tpu.memory_space<vmem>>) offsets(%run_scoped3A_1 : memref<128xi32, #tpu.memory_space<vmem>>) semaphore(%arg6 : memref<!tpu.dma_semaphore, #tpu.memory_space<semaphore_mem>>)
      %dma_wait3A = arith.constant 0 : i32
      %dma_wait3A_28 = arith.constant 0 : i32
      %dma_wait3A_29 = tpu.memref_slice %arg2[%dma_wait3A, %dma_wait3A_28] : memref<90000x128xf32, #tpu.memory_space<hbm>> -> memref<90000x128xf32, #tpu.memory_space<hbm>>
      tpu.wait_indirect_dma semaphore(%arg6 : memref<!tpu.dma_semaphore, #tpu.memory_space<semaphore_mem>>) src(%dma_wait3A_29 : memref<90000x128xf32, #tpu.memory_space<hbm>>) dst(%run_scoped3A_5 : memref<128x128xf32, #tpu.memory_space<vmem>>)
      "tpu.region"() ({
        %run_scoped3A_35 = tpu.sem_alloc : memref<!tpu.dma_semaphore, #tpu.memory_space<semaphore_mem>>
        %dma_start3A_36 = arith.constant 0 : i32
        %dma_start3A_37 = arith.constant 0 : i32
        %dma_start3A_38 = tpu.memref_slice %arg5[%dma_start3A_36, %dma_start3A_37] : memref<10240x128xf32, #tpu.memory_space<vmem_shared>> -> memref<10240x128xf32, #tpu.memory_space<vmem_shared>>
        tpu.enqueue_indirect_dma source(%run_scoped3A_5 : memref<128x128xf32, #tpu.memory_space<vmem>>) target(%dma_start3A_38 : memref<10240x128xf32, #tpu.memory_space<vmem_shared>>) offsets(%run_scoped3A_2 : memref<128xi32, #tpu.memory_space<vmem>>) semaphore(%run_scoped3A_35 : memref<!tpu.dma_semaphore, #tpu.memory_space<semaphore_mem>>) {add = true}
        %dma_wait3A_39 = arith.constant 0 : i32
        %dma_wait3A_40 = arith.constant 0 : i32
        %dma_wait3A_41 = tpu.memref_slice %arg5[%dma_wait3A_39, %dma_wait3A_40] : memref<10240x128xf32, #tpu.memory_space<vmem_shared>> -> memref<10240x128xf32, #tpu.memory_space<vmem_shared>>
        tpu.wait_indirect_dma semaphore(%run_scoped3A_35 : memref<!tpu.dma_semaphore, #tpu.memory_space<semaphore_mem>>) src(%run_scoped3A_5 : memref<128x128xf32, #tpu.memory_space<vmem>>) dst(%dma_wait3A_41 : memref<10240x128xf32, #tpu.memory_space<vmem_shared>>)
        tpu.yield
      }) : () -> ()
      %barrier3A_30 = arith.constant 0 : index
      tpu.barrier barrier_id(%barrier3A_30)
      %mul3A_31 = arith.constant 640 : i32
      %mul3A_32 = arith.muli %arg1, %mul3A_31 : i32
      %mul3A_33 = arith.constant 640 : i32
      %mul3A_34 = arith.muli %arg1, %mul3A_33 : i32
      "tpu.region"() ({
        %run_scoped3A_35 = tpu.sem_alloc : memref<!tpu.dma_semaphore, #tpu.memory_space<semaphore_mem>>
        %dma_start3A_36 = arith.constant 0 : i32
        %dma_start3A_37 = tpu.memref_slice %arg4[%arg0, %mul3A_34, %dma_start3A_36] : memref<2x10240x128xf32, #tpu.memory_space<hbm>> -> memref<1x640x128xf32, #tpu.memory_space<hbm>>
        %dma_start3A_38 = tpu.memref_squeeze %dma_start3A_37 : memref<1x640x128xf32, #tpu.memory_space<hbm>> -> memref<640x128xf32, #tpu.memory_space<hbm>>
        %dma_start3A_39 = arith.constant 0 : i32
        %dma_start3A_40 = tpu.memref_slice %arg5[%mul3A_32, %dma_start3A_39] : memref<10240x128xf32, #tpu.memory_space<vmem_shared>> -> memref<640x128xf32, #tpu.memory_space<vmem_shared>>
        tpu.enqueue_dma source(%dma_start3A_40 : memref<640x128xf32, #tpu.memory_space<vmem_shared>>) target(%dma_start3A_38 : memref<640x128xf32, #tpu.memory_space<hbm>>) target_semaphore(%run_scoped3A_35 : memref<!tpu.dma_semaphore, #tpu.memory_space<semaphore_mem>>)
        %dma_wait3A_41 = arith.constant 0 : i32
        %dma_wait3A_42 = tpu.memref_slice %arg4[%arg0, %mul3A_34, %dma_wait3A_41] : memref<2x10240x128xf32, #tpu.memory_space<hbm>> -> memref<1x640x128xf32, #tpu.memory_space<hbm>>
        %dma_wait3A_43 = tpu.memref_squeeze %dma_wait3A_42 : memref<1x640x128xf32, #tpu.memory_space<hbm>> -> memref<640x128xf32, #tpu.memory_space<hbm>>
        %dma_wait3A_44 = arith.constant 0 : i32
        %dma_wait3A_45 = tpu.memref_slice %arg5[%mul3A_32, %dma_wait3A_44] : memref<10240x128xf32, #tpu.memory_space<vmem_shared>> -> memref<640x128xf32, #tpu.memory_space<vmem_shared>>
        tpu.wait_dma2 semaphore(%run_scoped3A_35 : memref<!tpu.dma_semaphore, #tpu.memory_space<semaphore_mem>>) src(%dma_wait3A_45 : memref<640x128xf32, #tpu.memory_space<vmem_shared>>) dst(%dma_wait3A_43 : memref<640x128xf32, #tpu.memory_space<hbm>>)
        tpu.yield
      }) : () -> ()
      tpu.yield
    }) : () -> ()
    return
  }
}

#map = affine_map<(d0, d1) -> (0, 0)>
#map1 = affine_map<(d0, d1) -> (0, 0, 0)>
module attributes {stable_mosaic.version = 14 : i64} {
  func.func @k(%arg0: i32, %arg1: i32, %arg2: memref<90000x128xf32, #tpu.memory_space<hbm>>, %arg3: memref<32x79x128xi32, #tpu.memory_space<hbm>>, %arg4: memref<2x10240x128xf32, #tpu.memory_space<hbm>>, %arg5: memref<10240x128xf32, #tpu.memory_space<vmem_shared>>, %arg6: memref<!tpu.dma_semaphore, #tpu.memory_space<semaphore_mem>>) attributes {dimension_semantics = [#tpu.dimension_semantics<core_parallel>, #tpu.dimension_semantics<subcore_parallel>], iteration_bounds = array<i64: 2, 16>, scalar_prefetch = 0 : i64, scratch_operands = 2 : i64, tpu.core_type = #tpu.core_type<sc_vector_subcore>, window_params = [{transform_indices = #map}, {transform_indices = #map1}, {transform_indices = #map1}]} {
    %mul3A = arith.constant 16 : i32
    %mul3A_0 = arith.muli %arg0, %mul3A : i32
    %add3A = arith.addi %mul3A_0, %arg1 : i32
    "tpu.region"() ({
      %run_scoped3A = memref.alloca() : memref<79x128xi32, #tpu.memory_space<vmem>>
      %run_scoped3A_1 = memref.alloca() : memref<128xi32, #tpu.memory_space<vmem>>
      %run_scoped3A_2 = memref.alloca() : memref<128xi32, #tpu.memory_space<vmem>>
      %run_scoped3A_3 = memref.alloca() : memref<128xi32, #tpu.memory_space<vmem>>
      %run_scoped3A_4 = memref.alloca() : memref<128xi32, #tpu.memory_space<vmem>>
      %run_scoped3A_5 = memref.alloca() : memref<128x128xf32, #tpu.memory_space<vmem>>
      %run_scoped3A_6 = memref.alloca() : memref<128x128xf32, #tpu.memory_space<vmem>>
      "tpu.region"() ({
        %run_scoped3A_35 = tpu.sem_alloc : memref<!tpu.dma_semaphore, #tpu.memory_space<semaphore_mem>>
        %dma_start3A_36 = arith.constant 0 : i32
        %dma_start3A_37 = arith.constant 0 : i32
        %dma_start3A_38 = tpu.memref_slice %arg3[%add3A, %dma_start3A_36, %dma_start3A_37] : memref<32x79x128xi32, #tpu.memory_space<hbm>> -> memref<1x79x128xi32, #tpu.memory_space<hbm>>
        %dma_start3A_39 = tpu.memref_squeeze %dma_start3A_38 : memref<1x79x128xi32, #tpu.memory_space<hbm>> -> memref<79x128xi32, #tpu.memory_space<hbm>>
        %dma_start3A_40 = arith.constant 0 : i32
        %dma_start3A_41 = arith.constant 0 : i32
        %dma_start3A_42 = tpu.memref_slice %arg3[%add3A, %dma_start3A_40, %dma_start3A_41] : memref<32x79x128xi32, #tpu.memory_space<hbm>> -> memref<1x79x128xi32, #tpu.memory_space<hbm>>
        %dma_start3A_43 = tpu.memref_squeeze %dma_start3A_42 : memref<1x79x128xi32, #tpu.memory_space<hbm>> -> memref<79x128xi32, #tpu.memory_space<hbm>>
        tpu.enqueue_dma source(%dma_start3A_43 : memref<79x128xi32, #tpu.memory_space<hbm>>) target(%run_scoped3A : memref<79x128xi32, #tpu.memory_space<vmem>>) target_semaphore(%run_scoped3A_35 : memref<!tpu.dma_semaphore, #tpu.memory_space<semaphore_mem>>)
        %dma_wait3A_44 = arith.constant 0 : i32
        %dma_wait3A_45 = arith.constant 0 : i32
        %dma_wait3A_46 = tpu.memref_slice %arg3[%add3A, %dma_wait3A_44, %dma_wait3A_45] : memref<32x79x128xi32, #tpu.memory_space<hbm>> -> memref<1x79x128xi32, #tpu.memory_space<hbm>>
        %dma_wait3A_47 = tpu.memref_squeeze %dma_wait3A_46 : memref<1x79x128xi32, #tpu.memory_space<hbm>> -> memref<79x128xi32, #tpu.memory_space<hbm>>
        %dma_wait3A_48 = arith.constant 0 : i32
        %dma_wait3A_49 = arith.constant 0 : i32
        %dma_wait3A_50 = tpu.memref_slice %arg3[%add3A, %dma_wait3A_48, %dma_wait3A_49] : memref<32x79x128xi32, #tpu.memory_space<hbm>> -> memref<1x79x128xi32, #tpu.memory_space<hbm>>
        %dma_wait3A_51 = tpu.memref_squeeze %dma_wait3A_50 : memref<1x79x128xi32, #tpu.memory_space<hbm>> -> memref<79x128xi32, #tpu.memory_space<hbm>>
        tpu.wait_dma2 semaphore(%run_scoped3A_35 : memref<!tpu.dma_semaphore, #tpu.memory_space<semaphore_mem>>) src(%dma_wait3A_51 : memref<79x128xi32, #tpu.memory_space<hbm>>) dst(%run_scoped3A : memref<79x128xi32, #tpu.memory_space<vmem>>)
        tpu.yield
      }) : () -> ()
      %scan3A = arith.constant 0 : i32
      %scan3A_7 = arith.constant 128 : i32
      %scan3A_8 = arith.addi %scan3A, %scan3A_7 : i32
      %scan3A_9 = arith.constant 1 : i32
      scf.for %scan3A_35 = %scan3A to %scan3A_8 step %scan3A_9  : i32 {
        %mul3A_36 = arith.constant 1 : i32
        %mul3A_37 = arith.muli %scan3A_35, %mul3A_36 : i32
        %add3A_38 = arith.constant 0 : i32
        %add3A_39 = arith.addi %add3A_38, %mul3A_37 : i32
        %scan3A_40 = arith.constant 0 : i32
        %scan3A_41 = arith.constant 8 : i32
        %scan3A_42 = arith.addi %scan3A_40, %scan3A_41 : i32
        %scan3A_43 = arith.constant 1 : i32
        scf.for %scan3A_45 = %scan3A_40 to %scan3A_42 step %scan3A_43  : i32 {
          %mul3A_46 = arith.constant 1 : i32
          %mul3A_47 = arith.muli %scan3A_45, %mul3A_46 : i32
          %add3A_48 = arith.constant 0 : i32
          %add3A_49 = arith.addi %add3A_48, %mul3A_47 : i32
          %broadcast_in_dim3A = arith.constant 0.000000e+00 : f32
          %broadcast_in_dim3A_50 = vector.broadcast %broadcast_in_dim3A : f32 to vector<16xf32>
          %mul3A_51 = arith.constant 16 : i32
          %mul3A_52 = arith.muli %add3A_49, %mul3A_51 : i32
          %swap3A = arith.index_cast %add3A_39 : i32 to index
          %swap3A_53 = arith.index_cast %mul3A_52 : i32 to index
          %swap3A_54 = tpu.vector_load %run_scoped3A_5[%swap3A, %swap3A_53] {strides = array<i32>} : memref<128x128xf32, #tpu.memory_space<vmem>>, vector<1x16xf32>,
          %swap3A_55 = vector.shape_cast %swap3A_54 : vector<1x16xf32> to vector<16xf32>
          %swap3A_56 = vector.shape_cast %broadcast_in_dim3A_50 : vector<16xf32> to vector<1x16xf32>
          tpu.vector_store %run_scoped3A_5[%swap3A, %swap3A_53], %swap3A_56 {strides = array<i32>} : memref<128x128xf32, #tpu.memory_space<vmem>>, vector<1x16xf32>,
        }
        %scan3A_44 = arith.constant 8 : i32
      }
      %scan3A_10 = arith.constant 128 : i32
      %scan3A_11 = arith.constant 0 : i32
      %scan3A_12 = arith.constant 5 : i32
      %scan3A_13 = arith.addi %scan3A_11, %scan3A_12 : i32
      %scan3A_14 = arith.constant 1 : i32
      scf.for %scan3A_35 = %scan3A_11 to %scan3A_13 step %scan3A_14  : i32 {
        %mul3A_36 = arith.constant 1 : i32
        %mul3A_37 = arith.muli %scan3A_35, %mul3A_36 : i32
        %add3A_38 = arith.constant 0 : i32
        %add3A_39 = arith.addi %add3A_38, %mul3A_37 : i32
        %mul3A_40 = arith.constant 640 : i32
        %mul3A_41 = arith.muli %arg1, %mul3A_40 : i32
        %mul3A_42 = arith.constant 128 : i32
        %mul3A_43 = arith.muli %add3A_39, %mul3A_42 : i32
        %add3A_44 = arith.addi %mul3A_41, %mul3A_43 : i32
        "tpu.region"() ({
          %run_scoped3A_45 = tpu.sem_alloc : memref<!tpu.dma_semaphore, #tpu.memory_space<semaphore_mem>>
          %dma_start3A_46 = arith.constant 0 : i32
          %dma_start3A_47 = tpu.memref_slice %arg5[%add3A_44, %dma_start3A_46] : memref<10240x128xf32, #tpu.memory_space<vmem_shared>> -> memref<128x128xf32, #tpu.memory_space<vmem_shared>>
          %dma_start3A_48 = arith.constant 0 : i32
          %dma_start3A_49 = tpu.memref_slice %arg5[%add3A_44, %dma_start3A_48] : memref<10240x128xf32, #tpu.memory_space<vmem_shared>> -> memref<128x128xf32, #tpu.memory_space<vmem_shared>>
          tpu.enqueue_dma source(%run_scoped3A_5 : memref<128x128xf32, #tpu.memory_space<vmem>>) target(%dma_start3A_49 : memref<128x128xf32, #tpu.memory_space<vmem_shared>>) target_semaphore(%run_scoped3A_45 : memref<!tpu.dma_semaphore, #tpu.memory_space<semaphore_mem>>)
          %dma_wait3A_50 = arith.constant 0 : i32
          %dma_wait3A_51 = tpu.memref_slice %arg5[%add3A_44, %dma_wait3A_50] : memref<10240x128xf32, #tpu.memory_space<vmem_shared>> -> memref<128x128xf32, #tpu.memory_space<vmem_shared>>
          %dma_wait3A_52 = arith.constant 0 : i32
          %dma_wait3A_53 = tpu.memref_slice %arg5[%add3A_44, %dma_wait3A_52] : memref<10240x128xf32, #tpu.memory_space<vmem_shared>> -> memref<128x128xf32, #tpu.memory_space<vmem_shared>>
          tpu.wait_dma2 semaphore(%run_scoped3A_45 : memref<!tpu.dma_semaphore, #tpu.memory_space<semaphore_mem>>) src(%run_scoped3A_5 : memref<128x128xf32, #tpu.memory_space<vmem>>) dst(%dma_wait3A_53 : memref<128x128xf32, #tpu.memory_space<vmem_shared>>)
          tpu.yield
        }) : () -> ()
      }
      %scan3A_15 = arith.constant 5 : i32
      %barrier3A = arith.constant 0 : index
      tpu.barrier barrier_id(%barrier3A)
      %scan3A_16 = arith.constant 0 : i32
      %scan3A_17 = arith.constant 39 : i32
      %scan3A_18 = arith.addi %scan3A_16, %scan3A_17 : i32
      %scan3A_19 = arith.constant 1 : i32
      scf.for %scan3A_35 = %scan3A_16 to %scan3A_18 step %scan3A_19  : i32 {
        %mul3A_36 = arith.constant 1 : i32
        %mul3A_37 = arith.muli %scan3A_35, %mul3A_36 : i32
        %add3A_38 = arith.constant 0 : i32
        %add3A_39 = arith.addi %add3A_38, %mul3A_37 : i32
        %mul3A_40 = arith.constant 2 : i32
        %mul3A_41 = arith.muli %mul3A_40, %add3A_39 : i32
        %scan3A_42 = arith.constant 0 : i32
        %scan3A_43 = arith.constant 8 : i32
        %scan3A_44 = arith.addi %scan3A_42, %scan3A_43 : i32
        %scan3A_45 = arith.constant 1 : i32
        scf.for %scan3A_68 = %scan3A_42 to %scan3A_44 step %scan3A_45  : i32 {
          %mul3A_69 = arith.constant 1 : i32
          %mul3A_70 = arith.muli %scan3A_68, %mul3A_69 : i32
          %add3A_71 = arith.constant 0 : i32
          %add3A_72 = arith.addi %add3A_71, %mul3A_70 : i32
          %mul3A_73 = arith.constant 16 : i32
          %mul3A_74 = arith.muli %add3A_72, %mul3A_73 : i32
          %get3A = arith.index_cast %mul3A_41 : i32 to index
          %get3A_75 = arith.index_cast %mul3A_74 : i32 to index
          %get3A_76 = tpu.vector_load %run_scoped3A[%get3A, %get3A_75] {strides = array<i32>} : memref<79x128xi32, #tpu.memory_space<vmem>>, vector<1x16xi32>,
          %get3A_77 = vector.shape_cast %get3A_76 : vector<1x16xi32> to vector<16xi32>
          %shift_right_logical3A = arith.constant 14 : i32
          %shift_right_logical3A_78 = vector.broadcast %shift_right_logical3A : i32 to vector<16xi32>
          %shift_right_logical3A_79 = arith.shrui %get3A_77, %shift_right_logical3A_78 : vector<16xi32>
          %mul3A_80 = arith.constant 16 : i32
          %mul3A_81 = arith.muli %add3A_72, %mul3A_80 : i32
          %swap3A = arith.index_cast %mul3A_81 : i32 to index
          %swap3A_82 = tpu.vector_load %run_scoped3A_1[%swap3A] {strides = array<i32>} : memref<128xi32, #tpu.memory_space<vmem>>, vector<16xi32>,
          %swap3A_83 = vector.shape_cast %swap3A_82 : vector<16xi32> to vector<16xi32>
          %swap3A_84 = vector.shape_cast %shift_right_logical3A_79 : vector<16xi32> to vector<16xi32>
          tpu.vector_store %run_scoped3A_1[%swap3A], %swap3A_84 {strides = array<i32>} : memref<128xi32, #tpu.memory_space<vmem>>, vector<16xi32>,
          %and3A = arith.constant 16383 : i32
          %and3A_85 = vector.broadcast %and3A : i32 to vector<16xi32>
          %and3A_86 = arith.andi %get3A_77, %and3A_85 : vector<16xi32>
          %mul3A_87 = arith.constant 16 : i32
          %mul3A_88 = arith.muli %add3A_72, %mul3A_87 : i32
          %swap3A_89 = arith.index_cast %mul3A_88 : i32 to index
          %swap3A_90 = tpu.vector_load %run_scoped3A_2[%swap3A_89] {strides = array<i32>} : memref<128xi32, #tpu.memory_space<vmem>>, vector<16xi32>,
          %swap3A_91 = vector.shape_cast %swap3A_90 : vector<16xi32> to vector<16xi32>
          %swap3A_92 = vector.shape_cast %and3A_86 : vector<16xi32> to vector<16xi32>
          tpu.vector_store %run_scoped3A_2[%swap3A_89], %swap3A_92 {strides = array<i32>} : memref<128xi32, #tpu.memory_space<vmem>>, vector<16xi32>,
        }
        %scan3A_46 = arith.constant 8 : i32
        %mul3A_47 = arith.constant 2 : i32
        %mul3A_48 = arith.muli %mul3A_47, %add3A_39 : i32
        %add3A_49 = arith.constant 1 : i32
        %add3A_50 = arith.addi %mul3A_48, %add3A_49 : i32
        %scan3A_51 = arith.constant 0 : i32
        %scan3A_52 = arith.constant 8 : i32
        %scan3A_53 = arith.addi %scan3A_51, %scan3A_52 : i32
        %scan3A_54 = arith.constant 1 : i32
        scf.for %scan3A_68 = %scan3A_51 to %scan3A_53 step %scan3A_54  : i32 {
          %mul3A_69 = arith.constant 1 : i32
          %mul3A_70 = arith.muli %scan3A_68, %mul3A_69 : i32
          %add3A_71 = arith.constant 0 : i32
          %add3A_72 = arith.addi %add3A_71, %mul3A_70 : i32
          %mul3A_73 = arith.constant 16 : i32
          %mul3A_74 = arith.muli %add3A_72, %mul3A_73 : i32
          %get3A = arith.index_cast %add3A_50 : i32 to index
          %get3A_75 = arith.index_cast %mul3A_74 : i32 to index
          %get3A_76 = tpu.vector_load %run_scoped3A[%get3A, %get3A_75] {strides = array<i32>} : memref<79x128xi32, #tpu.memory_space<vmem>>, vector<1x16xi32>,
          %get3A_77 = vector.shape_cast %get3A_76 : vector<1x16xi32> to vector<16xi32>
          %shift_right_logical3A = arith.constant 14 : i32
          %shift_right_logical3A_78 = vector.broadcast %shift_right_logical3A : i32 to vector<16xi32>
          %shift_right_logical3A_79 = arith.shrui %get3A_77, %shift_right_logical3A_78 : vector<16xi32>
          %mul3A_80 = arith.constant 16 : i32
          %mul3A_81 = arith.muli %add3A_72, %mul3A_80 : i32
          %swap3A = arith.index_cast %mul3A_81 : i32 to index
          %swap3A_82 = tpu.vector_load %run_scoped3A_3[%swap3A] {strides = array<i32>} : memref<128xi32, #tpu.memory_space<vmem>>, vector<16xi32>,
          %swap3A_83 = vector.shape_cast %swap3A_82 : vector<16xi32> to vector<16xi32>
          %swap3A_84 = vector.shape_cast %shift_right_logical3A_79 : vector<16xi32> to vector<16xi32>
          tpu.vector_store %run_scoped3A_3[%swap3A], %swap3A_84 {strides = array<i32>} : memref<128xi32, #tpu.memory_space<vmem>>, vector<16xi32>,
          %and3A = arith.constant 16383 : i32
          %and3A_85 = vector.broadcast %and3A : i32 to vector<16xi32>
          %and3A_86 = arith.andi %get3A_77, %and3A_85 : vector<16xi32>
          %mul3A_87 = arith.constant 16 : i32
          %mul3A_88 = arith.muli %add3A_72, %mul3A_87 : i32
          %swap3A_89 = arith.index_cast %mul3A_88 : i32 to index
          %swap3A_90 = tpu.vector_load %run_scoped3A_4[%swap3A_89] {strides = array<i32>} : memref<128xi32, #tpu.memory_space<vmem>>, vector<16xi32>,
          %swap3A_91 = vector.shape_cast %swap3A_90 : vector<16xi32> to vector<16xi32>
          %swap3A_92 = vector.shape_cast %and3A_86 : vector<16xi32> to vector<16xi32>
          tpu.vector_store %run_scoped3A_4[%swap3A_89], %swap3A_92 {strides = array<i32>} : memref<128xi32, #tpu.memory_space<vmem>>, vector<16xi32>,
        }
        %scan3A_55 = arith.constant 8 : i32
        %dma_start3A_56 = arith.constant 0 : i32
        %dma_start3A_57 = arith.constant 0 : i32
        %dma_start3A_58 = tpu.memref_slice %arg2[%dma_start3A_56, %dma_start3A_57] : memref<90000x128xf32, #tpu.memory_space<hbm>> -> memref<90000x128xf32, #tpu.memory_space<hbm>>
        tpu.enqueue_indirect_dma source(%dma_start3A_58 : memref<90000x128xf32, #tpu.memory_space<hbm>>) target(%run_scoped3A_5 : memref<128x128xf32, #tpu.memory_space<vmem>>) offsets(%run_scoped3A_1 : memref<128xi32, #tpu.memory_space<vmem>>) semaphore(%arg6 : memref<!tpu.dma_semaphore, #tpu.memory_space<semaphore_mem>>)
        %dma_start3A_59 = arith.constant 0 : i32
        %dma_start3A_60 = arith.constant 0 : i32
        %dma_start3A_61 = tpu.memref_slice %arg2[%dma_start3A_59, %dma_start3A_60] : memref<90000x128xf32, #tpu.memory_space<hbm>> -> memref<90000x128xf32, #tpu.memory_space<hbm>>
        tpu.enqueue_indirect_dma source(%dma_start3A_61 : memref<90000x128xf32, #tpu.memory_space<hbm>>) target(%run_scoped3A_6 : memref<128x128xf32, #tpu.memory_space<vmem>>) offsets(%run_scoped3A_3 : memref<128xi32, #tpu.memory_space<vmem>>) semaphore(%arg6 : memref<!tpu.dma_semaphore, #tpu.memory_space<semaphore_mem>>)
        %dma_wait3A_62 = arith.constant 0 : i32
        %dma_wait3A_63 = arith.constant 0 : i32
        %dma_wait3A_64 = tpu.memref_slice %arg2[%dma_wait3A_62, %dma_wait3A_63] : memref<90000x128xf32, #tpu.memory_space<hbm>> -> memref<90000x128xf32, #tpu.memory_space<hbm>>
        tpu.wait_indirect_dma semaphore(%arg6 : memref<!tpu.dma_semaphore, #tpu.memory_space<semaphore_mem>>) src(%dma_wait3A_64 : memref<90000x128xf32, #tpu.memory_space<hbm>>) dst(%run_scoped3A_5 : memref<128x128xf32, #tpu.memory_space<vmem>>)
        %dma_wait3A_65 = arith.constant 0 : i32
        %dma_wait3A_66 = arith.constant 0 : i32
        %dma_wait3A_67 = tpu.memref_slice %arg2[%dma_wait3A_65, %dma_wait3A_66] : memref<90000x128xf32, #tpu.memory_space<hbm>> -> memref<90000x128xf32, #tpu.memory_space<hbm>>
        tpu.wait_indirect_dma semaphore(%arg6 : memref<!tpu.dma_semaphore, #tpu.memory_space<semaphore_mem>>) src(%dma_wait3A_67 : memref<90000x128xf32, #tpu.memory_space<hbm>>) dst(%run_scoped3A_6 : memref<128x128xf32, #tpu.memory_space<vmem>>)
        "tpu.region"() ({
          %run_scoped3A_68 = tpu.sem_alloc : memref<!tpu.dma_semaphore, #tpu.memory_space<semaphore_mem>>
          %dma_start3A_69 = arith.constant 0 : i32
          %dma_start3A_70 = arith.constant 0 : i32
          %dma_start3A_71 = tpu.memref_slice %arg5[%dma_start3A_69, %dma_start3A_70] : memref<10240x128xf32, #tpu.memory_space<vmem_shared>> -> memref<10240x128xf32, #tpu.memory_space<vmem_shared>>
          tpu.enqueue_indirect_dma source(%run_scoped3A_5 : memref<128x128xf32, #tpu.memory_space<vmem>>) target(%dma_start3A_71 : memref<10240x128xf32, #tpu.memory_space<vmem_shared>>) offsets(%run_scoped3A_2 : memref<128xi32, #tpu.memory_space<vmem>>) semaphore(%run_scoped3A_68 : memref<!tpu.dma_semaphore, #tpu.memory_space<semaphore_mem>>) {add = true}
          %dma_wait3A_72 = arith.constant 0 : i32
          %dma_wait3A_73 = arith.constant 0 : i32
          %dma_wait3A_74 = tpu.memref_slice %arg5[%dma_wait3A_72, %dma_wait3A_73] : memref<10240x128xf32, #tpu.memory_space<vmem_shared>> -> memref<10240x128xf32, #tpu.memory_space<vmem_shared>>
          tpu.wait_indirect_dma semaphore(%run_scoped3A_68 : memref<!tpu.dma_semaphore, #tpu.memory_space<semaphore_mem>>) src(%run_scoped3A_5 : memref<128x128xf32, #tpu.memory_space<vmem>>) dst(%dma_wait3A_74 : memref<10240x128xf32, #tpu.memory_space<vmem_shared>>)
          tpu.yield
        }) : () -> ()
        "tpu.region"() ({
          %run_scoped3A_68 = tpu.sem_alloc : memref<!tpu.dma_semaphore, #tpu.memory_space<semaphore_mem>>
          %dma_start3A_69 = arith.constant 0 : i32
          %dma_start3A_70 = arith.constant 0 : i32
          %dma_start3A_71 = tpu.memref_slice %arg5[%dma_start3A_69, %dma_start3A_70] : memref<10240x128xf32, #tpu.memory_space<vmem_shared>> -> memref<10240x128xf32, #tpu.memory_space<vmem_shared>>
          tpu.enqueue_indirect_dma source(%run_scoped3A_6 : memref<128x128xf32, #tpu.memory_space<vmem>>) target(%dma_start3A_71 : memref<10240x128xf32, #tpu.memory_space<vmem_shared>>) offsets(%run_scoped3A_4 : memref<128xi32, #tpu.memory_space<vmem>>) semaphore(%run_scoped3A_68 : memref<!tpu.dma_semaphore, #tpu.memory_space<semaphore_mem>>) {add = true}
          %dma_wait3A_72 = arith.constant 0 : i32
          %dma_wait3A_73 = arith.constant 0 : i32
          %dma_wait3A_74 = tpu.memref_slice %arg5[%dma_wait3A_72, %dma_wait3A_73] : memref<10240x128xf32, #tpu.memory_space<vmem_shared>> -> memref<10240x128xf32, #tpu.memory_space<vmem_shared>>
          tpu.wait_indirect_dma semaphore(%run_scoped3A_68 : memref<!tpu.dma_semaphore, #tpu.memory_space<semaphore_mem>>) src(%run_scoped3A_6 : memref<128x128xf32, #tpu.memory_space<vmem>>) dst(%dma_wait3A_74 : memref<10240x128xf32, #tpu.memory_space<vmem_shared>>)
          tpu.yield
        }) : () -> ()
      }
      %scan3A_20 = arith.constant 39 : i32
      %scan3A_21 = arith.constant 0 : i32
      %scan3A_22 = arith.constant 8 : i32
      %scan3A_23 = arith.addi %scan3A_21, %scan3A_22 : i32
      %scan3A_24 = arith.constant 1 : i32
      scf.for %scan3A_35 = %scan3A_21 to %scan3A_23 step %scan3A_24  : i32 {
        %mul3A_36 = arith.constant 1 : i32
        %mul3A_37 = arith.muli %scan3A_35, %mul3A_36 : i32
        %add3A_38 = arith.constant 0 : i32
        %add3A_39 = arith.addi %add3A_38, %mul3A_37 : i32
        %mul3A_40 = arith.constant 16 : i32
        %mul3A_41 = arith.muli %add3A_39, %mul3A_40 : i32
        %get3A = arith.constant 78 : i32
        %get3A_42 = arith.index_cast %get3A : i32 to index
        %get3A_43 = arith.index_cast %mul3A_41 : i32 to index
        %get3A_44 = tpu.vector_load %run_scoped3A[%get3A_42, %get3A_43] {strides = array<i32>} : memref<79x128xi32, #tpu.memory_space<vmem>>, vector<1x16xi32>,
        %get3A_45 = vector.shape_cast %get3A_44 : vector<1x16xi32> to vector<16xi32>
        %shift_right_logical3A = arith.constant 14 : i32
        %shift_right_logical3A_46 = vector.broadcast %shift_right_logical3A : i32 to vector<16xi32>
        %shift_right_logical3A_47 = arith.shrui %get3A_45, %shift_right_logical3A_46 : vector<16xi32>
        %mul3A_48 = arith.constant 16 : i32
        %mul3A_49 = arith.muli %add3A_39, %mul3A_48 : i32
        %swap3A = arith.index_cast %mul3A_49 : i32 to index
        %swap3A_50 = tpu.vector_load %run_scoped3A_1[%swap3A] {strides = array<i32>} : memref<128xi32, #tpu.memory_space<vmem>>, vector<16xi32>,
        %swap3A_51 = vector.shape_cast %swap3A_50 : vector<16xi32> to vector<16xi32>
        %swap3A_52 = vector.shape_cast %shift_right_logical3A_47 : vector<16xi32> to vector<16xi32>
        tpu.vector_store %run_scoped3A_1[%swap3A], %swap3A_52 {strides = array<i32>} : memref<128xi32, #tpu.memory_space<vmem>>, vector<16xi32>,
        %and3A = arith.constant 16383 : i32
        %and3A_53 = vector.broadcast %and3A : i32 to vector<16xi32>
        %and3A_54 = arith.andi %get3A_45, %and3A_53 : vector<16xi32>
        %mul3A_55 = arith.constant 16 : i32
        %mul3A_56 = arith.muli %add3A_39, %mul3A_55 : i32
        %swap3A_57 = arith.index_cast %mul3A_56 : i32 to index
        %swap3A_58 = tpu.vector_load %run_scoped3A_2[%swap3A_57] {strides = array<i32>} : memref<128xi32, #tpu.memory_space<vmem>>, vector<16xi32>,
        %swap3A_59 = vector.shape_cast %swap3A_58 : vector<16xi32> to vector<16xi32>
        %swap3A_60 = vector.shape_cast %and3A_54 : vector<16xi32> to vector<16xi32>
        tpu.vector_store %run_scoped3A_2[%swap3A_57], %swap3A_60 {strides = array<i32>} : memref<128xi32, #tpu.memory_space<vmem>>, vector<16xi32>,
      }
      %scan3A_25 = arith.constant 8 : i32
      %dma_start3A = arith.constant 0 : i32
      %dma_start3A_26 = arith.constant 0 : i32
      %dma_start3A_27 = tpu.memref_slice %arg2[%dma_start3A, %dma_start3A_26] : memref<90000x128xf32, #tpu.memory_space<hbm>> -> memref<90000x128xf32, #tpu.memory_space<hbm>>
      tpu.enqueue_indirect_dma source(%dma_start3A_27 : memref<90000x128xf32, #tpu.memory_space<hbm>>) target(%run_scoped3A_5 : memref<128x128xf32, #tpu.memory_space<vmem>>) offsets(%run_scoped3A_1 : memref<128xi32, #tpu.memory_space<vmem>>) semaphore(%arg6 : memref<!tpu.dma_semaphore, #tpu.memory_space<semaphore_mem>>)
      %dma_wait3A = arith.constant 0 : i32
      %dma_wait3A_28 = arith.constant 0 : i32
      %dma_wait3A_29 = tpu.memref_slice %arg2[%dma_wait3A, %dma_wait3A_28] : memref<90000x128xf32, #tpu.memory_space<hbm>> -> memref<90000x128xf32, #tpu.memory_space<hbm>>
      tpu.wait_indirect_dma semaphore(%arg6 : memref<!tpu.dma_semaphore, #tpu.memory_space<semaphore_mem>>) src(%dma_wait3A_29 : memref<90000x128xf32, #tpu.memory_space<hbm>>) dst(%run_scoped3A_5 : memref<128x128xf32, #tpu.memory_space<vmem>>)
      "tpu.region"() ({
        %run_scoped3A_35 = tpu.sem_alloc : memref<!tpu.dma_semaphore, #tpu.memory_space<semaphore_mem>>
        %dma_start3A_36 = arith.constant 0 : i32
        %dma_start3A_37 = arith.constant 0 : i32
        %dma_start3A_38 = tpu.memref_slice %arg5[%dma_start3A_36, %dma_start3A_37] : memref<10240x128xf32, #tpu.memory_space<vmem_shared>> -> memref<10240x128xf32, #tpu.memory_space<vmem_shared>>
        tpu.enqueue_indirect_dma source(%run_scoped3A_5 : memref<128x128xf32, #tpu.memory_space<vmem>>) target(%dma_start3A_38 : memref<10240x128xf32, #tpu.memory_space<vmem_shared>>) offsets(%run_scoped3A_2 : memref<128xi32, #tpu.memory_space<vmem>>) semaphore(%run_scoped3A_35 : memref<!tpu.dma_semaphore, #tpu.memory_space<semaphore_mem>>) {add = true}
        %dma_wait3A_39 = arith.constant 0 : i32
        %dma_wait3A_40 = arith.constant 0 : i32
        %dma_wait3A_41 = tpu.memref_slice %arg5[%dma_wait3A_39, %dma_wait3A_40] : memref<10240x128xf32, #tpu.memory_space<vmem_shared>> -> memref<10240x128xf32, #tpu.memory_space<vmem_shared>>
        tpu.wait_indirect_dma semaphore(%run_scoped3A_35 : memref<!tpu.dma_semaphore, #tpu.memory_space<semaphore_mem>>) src(%run_scoped3A_5 : memref<128x128xf32, #tpu.memory_space<vmem>>) dst(%dma_wait3A_41 : memref<10240x128xf32, #tpu.memory_space<vmem_shared>>)
        tpu.yield
      }) : () -> ()
      %barrier3A_30 = arith.constant 0 : index
      tpu.barrier barrier_id(%barrier3A_30)
      %mul3A_31 = arith.constant 640 : i32
      %mul3A_32 = arith.muli %arg1, %mul3A_31 : i32
      %mul3A_33 = arith.constant 640 : i32
      %mul3A_34 = arith.muli %arg1, %mul3A_33 : i32
      "tpu.region"() ({
        %run_scoped3A_35 = tpu.sem_alloc : memref<!tpu.dma_semaphore, #tpu.memory_space<semaphore_mem>>
        %dma_start3A_36 = arith.constant 0 : i32
        %dma_start3A_37 = tpu.memref_slice %arg4[%arg0, %mul3A_34, %dma_start3A_36] : memref<2x10240x128xf32, #tpu.memory_space<hbm>> -> memref<1x640x128xf32, #tpu.memory_space<hbm>>
        %dma_start3A_38 = tpu.memref_squeeze %dma_start3A_37 : memref<1x640x128xf32, #tpu.memory_space<hbm>> -> memref<640x128xf32, #tpu.memory_space<hbm>>
        %dma_start3A_39 = arith.constant 0 : i32
        %dma_start3A_40 = tpu.memref_slice %arg5[%mul3A_32, %dma_start3A_39] : memref<10240x128xf32, #tpu.memory_space<vmem_shared>> -> memref<640x128xf32, #tpu.memory_space<vmem_shared>>
        tpu.enqueue_dma source(%dma_start3A_40 : memref<640x128xf32, #tpu.memory_space<vmem_shared>>) target(%dma_start3A_38 : memref<640x128xf32, #tpu.memory_space<hbm>>) target_semaphore(%run_scoped3A_35 : memref<!tpu.dma_semaphore, #tpu.memory_space<semaphore_mem>>)
        %dma_wait3A_41 = arith.constant 0 : i32
        %dma_wait3A_42 = tpu.memref_slice %arg4[%arg0, %mul3A_34, %dma_wait3A_41] : memref<2x10240x128xf32, #tpu.memory_space<hbm>> -> memref<1x640x128xf32, #tpu.memory_space<hbm>>
        %dma_wait3A_43 = tpu.memref_squeeze %dma_wait3A_42 : memref<1x640x128xf32, #tpu.memory_space<hbm>> -> memref<640x128xf32, #tpu.memory_space<hbm>>
        %dma_wait3A_44 = arith.constant 0 : i32
        %dma_wait3A_45 = tpu.memref_slice %arg5[%mul3A_32, %dma_wait3A_44] : memref<10240x128xf32, #tpu.memory_space<vmem_shared>> -> memref<640x128xf32, #tpu.memory_space<vmem_shared>>
        tpu.wait_dma2 semaphore(%run_scoped3A_35 : memref<!tpu.dma_semaphore, #tpu.memory_space<semaphore_mem>>) src(%dma_wait3A_45 : memref<640x128xf32, #tpu.memory_space<vmem_shared>>) dst(%dma_wait3A_43 : memref<640x128xf32, #tpu.memory_space<hbm>>)
        tpu.yield
      }) : () -> ()
      tpu.yield
    }) : () -> ()
    return
  }
}

module attributes {stable_mosaic.version = 14 : i64} {
  func.func @body(%arg0: i32, %arg1: i32, %arg2: memref<2000x128xf32, #tpu.memory_space<vmem>>, %arg3: memref<1x128x128xf32, #tpu.memory_space<vmem>>, %arg4: memref<1x2000x128xf32, #tpu.memory_space<vmem>>) attributes {dimension_semantics = [#tpu.dimension_semantics<arbitrary>, #tpu.dimension_semantics<arbitrary>], iteration_bounds = array<i64: 5, 9>, scalar_prefetch = 0 : i64, scratch_operands = 0 : i64, tpu.core_type = #tpu.core_type<tc>, window_params = [{transform_indices = @transform_0, window_bounds = array<i64: 2000, 128>}, {transform_indices = @transform_1, window_bounds = array<i64: 1, 128, 128>}, {transform_indices = @transform_2, window_bounds = array<i64: 1, 2000, 128>}]} {
    %get3A = arith.constant 0 : index
    %get3A_0 = arith.constant 0 : index
    %get3A_1 = vector.load %arg2[%get3A, %get3A_0] : memref<2000x128xf32, #tpu.memory_space<vmem>>, vector<2000x128xf32>
    %get3A_2 = arith.constant 0 : index
    %get3A_3 = arith.constant 0 : index
    %get3A_4 = arith.constant 0 : index
    %get3A_5 = vector.load %arg3[%get3A_2, %get3A_3, %get3A_4] : memref<1x128x128xf32, #tpu.memory_space<vmem>>, vector<1x128x128xf32>
    %get3A_6 = vector.shape_cast %get3A_5 : vector<1x128x128xf32> to vector<128x128xf32>
    %dot_general3A = arith.constant dense<0.000000e+00> : vector<2000x128xf32>
    %dot_general3A_7 = tpu.matmul %get3A_1, %get3A_6, %dot_general3A {dimension_numbers = #tpu.dot_dimension_numbers<[1], [0], [0], [1], [0, 0, 1, 1], [], []>, transpose_lhs_hint = false} : vector<2000x128xf32>, vector<128x128xf32>, vector<2000x128xf32> -> vector<2000x128xf32>
    %swap3A = arith.constant 0 : index
    %swap3A_8 = arith.constant 0 : index
    %swap3A_9 = arith.constant 0 : index
    %swap3A_10 = vector.load %arg4[%swap3A, %swap3A_8, %swap3A_9] : memref<1x2000x128xf32, #tpu.memory_space<vmem>>, vector<1x2000x128xf32>
    %swap3A_11 = vector.shape_cast %swap3A_10 : vector<1x2000x128xf32> to vector<2000x128xf32>
    %swap3A_12 = vector.shape_cast %dot_general3A_7 : vector<2000x128xf32> to vector<1x2000x128xf32>
    tpu.vector_store %arg4[%swap3A, %swap3A_8, %swap3A_9], %swap3A_12 {strides = array<i32>} : memref<1x2000x128xf32, #tpu.memory_space<vmem>>, vector<1x2000x128xf32>,
    return
  }
  func.func @transform_0(%arg0: i32, %arg1: i32) -> (i32, i32) {
    %c0_i32 = arith.constant 0 : i32
    %c0_i32_0 = arith.constant 0 : i32
    return %arg0, %c0_i32 : i32, i32
  }
  func.func @transform_1(%arg0: i32, %arg1: i32) -> (i32, i32, i32) {
    %c0_i32 = arith.constant 0 : i32
    %c0_i32_0 = arith.constant 0 : i32
    %c0_i32_1 = arith.constant 0 : i32
    return %arg1, %c0_i32, %c0_i32_0 : i32, i32, i32
  }
  func.func @transform_2(%arg0: i32, %arg1: i32) -> (i32, i32, i32) {
    %c0_i32 = arith.constant 0 : i32
    %c0_i32_0 = arith.constant 0 : i32
    return %arg1, %arg0, %c0_i32 : i32, i32, i32
  }
}

module attributes {stable_mosaic.version = 14 : i64} {
  func.func @body(%arg0: i32, %arg1: i32, %arg2: memref<2x2000x128xf32, #tpu.memory_space<vmem>>, %arg3: memref<1x2000x128xf32, #tpu.memory_space<vmem>>, %arg4: memref<1x128xf32, #tpu.memory_space<vmem>>, %arg5: memref<1x128x128xf32, #tpu.memory_space<vmem>>, %arg6: memref<1x2000x128xf32, #tpu.memory_space<vmem>>) attributes {dimension_semantics = [#tpu.dimension_semantics<arbitrary>, #tpu.dimension_semantics<arbitrary>], iteration_bounds = array<i64: 5, 9>, scalar_prefetch = 0 : i64, scratch_operands = 0 : i64, tpu.core_type = #tpu.core_type<tc>, window_params = [{transform_indices = @transform_0, window_bounds = array<i64: 2, 2000, 128>}, {transform_indices = @transform_1, window_bounds = array<i64: 1, 2000, 128>}, {pipeline_mode = #tpu.pipeline_mode<synchronous>, transform_indices = @transform_2, window_bounds = array<i64: 1, 128>}, {transform_indices = @transform_3, window_bounds = array<i64: 1, 128, 128>}, {transform_indices = @transform_4, window_bounds = array<i64: 1, 2000, 128>}]} {
    %get3A = arith.constant 0 : index
    %get3A_0 = arith.constant 0 : index
    %get3A_1 = arith.constant 0 : index
    %get3A_2 = vector.load %arg2[%get3A, %get3A_0, %get3A_1] : memref<2x2000x128xf32, #tpu.memory_space<vmem>>, vector<1x2000x128xf32>
    %get3A_3 = vector.shape_cast %get3A_2 : vector<1x2000x128xf32> to vector<2000x128xf32>
    %get3A_4 = arith.constant 1 : index
    %get3A_5 = arith.constant 0 : index
    %get3A_6 = arith.constant 0 : index
    %get3A_7 = vector.load %arg2[%get3A_4, %get3A_5, %get3A_6] : memref<2x2000x128xf32, #tpu.memory_space<vmem>>, vector<1x2000x128xf32>
    %get3A_8 = vector.shape_cast %get3A_7 : vector<1x2000x128xf32> to vector<2000x128xf32>
    %add3A = arith.addf %get3A_3, %get3A_8 : vector<2000x128xf32>
    %get3A_9 = arith.constant 0 : index
    %get3A_10 = arith.constant 0 : index
    %get3A_11 = arith.constant 0 : index
    %get3A_12 = vector.load %arg3[%get3A_9, %get3A_10, %get3A_11] : memref<1x2000x128xf32, #tpu.memory_space<vmem>>, vector<1x2000x128xf32>
    %get3A_13 = vector.shape_cast %get3A_12 : vector<1x2000x128xf32> to vector<2000x128xf32>
    %add3A_14 = arith.addf %add3A, %get3A_13 : vector<2000x128xf32>
    %get3A_15 = arith.constant 0 : index
    %get3A_16 = arith.constant 0 : index
    %get3A_17 = vector.load %arg4[%get3A_15, %get3A_16] : memref<1x128xf32, #tpu.memory_space<vmem>>, vector<1x128xf32>
    %add3A_18 = vector.broadcast %get3A_17 : vector<1x128xf32> to vector<2000x128xf32>
    %add3A_19 = arith.addf %add3A_14, %add3A_18 : vector<2000x128xf32>
    %max3A = arith.constant 0.000000e+00 : f32
    %max3A_20 = vector.broadcast %max3A : f32 to vector<2000x128xf32>
    %max3A_21 = arith.maximumf %add3A_19, %max3A_20 : vector<2000x128xf32>
    %get3A_22 = arith.constant 0 : index
    %get3A_23 = arith.constant 0 : index
    %get3A_24 = arith.constant 0 : index
    %get3A_25 = vector.load %arg5[%get3A_22, %get3A_23, %get3A_24] : memref<1x128x128xf32, #tpu.memory_space<vmem>>, vector<1x128x128xf32>
    %get3A_26 = vector.shape_cast %get3A_25 : vector<1x128x128xf32> to vector<128x128xf32>
    %dot_general3A = arith.constant dense<0.000000e+00> : vector<2000x128xf32>
    %dot_general3A_27 = tpu.matmul %max3A_21, %get3A_26, %dot_general3A {dimension_numbers = #tpu.dot_dimension_numbers<[1], [0], [0], [1], [0, 0, 1, 1], [], []>, transpose_lhs_hint = false} : vector<2000x128xf32>, vector<128x128xf32>, vector<2000x128xf32> -> vector<2000x128xf32>
    %swap3A = arith.constant 0 : index
    %swap3A_28 = arith.constant 0 : index
    %swap3A_29 = arith.constant 0 : index
    %swap3A_30 = vector.load %arg6[%swap3A, %swap3A_28, %swap3A_29] : memref<1x2000x128xf32, #tpu.memory_space<vmem>>, vector<1x2000x128xf32>
    %swap3A_31 = vector.shape_cast %swap3A_30 : vector<1x2000x128xf32> to vector<2000x128xf32>
    %swap3A_32 = vector.shape_cast %dot_general3A_27 : vector<2000x128xf32> to vector<1x2000x128xf32>
    tpu.vector_store %arg6[%swap3A, %swap3A_28, %swap3A_29], %swap3A_32 {strides = array<i32>} : memref<1x2000x128xf32, #tpu.memory_space<vmem>>, vector<1x2000x128xf32>,
    return
  }
  func.func @transform_0(%arg0: i32, %arg1: i32) -> (i32, i32, i32) {
    %c0_i32 = arith.constant 0 : i32
    %c0_i32_0 = arith.constant 0 : i32
    %c0_i32_1 = arith.constant 0 : i32
    return %c0_i32, %arg0, %c0_i32_0 : i32, i32, i32
  }
  func.func @transform_1(%arg0: i32, %arg1: i32) -> (i32, i32, i32) {
    %c8_i32 = arith.constant 8 : i32
    %c0_i32 = arith.constant 0 : i32
    %c0_i32_0 = arith.constant 0 : i32
    return %c8_i32, %arg0, %c0_i32 : i32, i32, i32
  }
  func.func @transform_2(%arg0: i32, %arg1: i32) -> (i32, i32) {
    %c0_i32 = arith.constant 0 : i32
    %c0_i32_0 = arith.constant 0 : i32
    %c0_i32_1 = arith.constant 0 : i32
    return %c0_i32, %c0_i32_0 : i32, i32
  }
  func.func @transform_3(%arg0: i32, %arg1: i32) -> (i32, i32, i32) {
    %c0_i32 = arith.constant 0 : i32
    %c0_i32_0 = arith.constant 0 : i32
    %c0_i32_1 = arith.constant 0 : i32
    return %arg1, %c0_i32, %c0_i32_0 : i32, i32, i32
  }
  func.func @transform_4(%arg0: i32, %arg1: i32) -> (i32, i32, i32) {
    %c0_i32 = arith.constant 0 : i32
    %c0_i32_0 = arith.constant 0 : i32
    return %arg1, %arg0, %c0_i32 : i32, i32, i32
  }
}

module attributes {stable_mosaic.version = 14 : i64} {
  func.func @body(%arg0: i32, %arg1: memref<2x2000x128xf32, #tpu.memory_space<vmem>>, %arg2: memref<1x2000x128xf32, #tpu.memory_space<vmem>>, %arg3: memref<1x128xf32, #tpu.memory_space<vmem>>, %arg4: memref<2000x128xf32, #tpu.memory_space<vmem>>) attributes {dimension_semantics = [#tpu.dimension_semantics<arbitrary>], iteration_bounds = array<i64: 5>, scalar_prefetch = 0 : i64, scratch_operands = 0 : i64, tpu.core_type = #tpu.core_type<tc>, window_params = [{transform_indices = @transform_0, window_bounds = array<i64: 2, 2000, 128>}, {transform_indices = @transform_1, window_bounds = array<i64: 1, 2000, 128>}, {pipeline_mode = #tpu.pipeline_mode<synchronous>, transform_indices = @transform_2, window_bounds = array<i64: 1, 128>}, {transform_indices = @transform_3, window_bounds = array<i64: 2000, 128>}]} {
    %get3A = arith.constant 0 : index
    %get3A_0 = arith.constant 0 : index
    %get3A_1 = arith.constant 0 : index
    %get3A_2 = vector.load %arg1[%get3A, %get3A_0, %get3A_1] : memref<2x2000x128xf32, #tpu.memory_space<vmem>>, vector<1x2000x128xf32>
    %get3A_3 = vector.shape_cast %get3A_2 : vector<1x2000x128xf32> to vector<2000x128xf32>
    %get3A_4 = arith.constant 1 : index
    %get3A_5 = arith.constant 0 : index
    %get3A_6 = arith.constant 0 : index
    %get3A_7 = vector.load %arg1[%get3A_4, %get3A_5, %get3A_6] : memref<2x2000x128xf32, #tpu.memory_space<vmem>>, vector<1x2000x128xf32>
    %get3A_8 = vector.shape_cast %get3A_7 : vector<1x2000x128xf32> to vector<2000x128xf32>
    %add3A = arith.addf %get3A_3, %get3A_8 : vector<2000x128xf32>
    %get3A_9 = arith.constant 0 : index
    %get3A_10 = arith.constant 0 : index
    %get3A_11 = arith.constant 0 : index
    %get3A_12 = vector.load %arg2[%get3A_9, %get3A_10, %get3A_11] : memref<1x2000x128xf32, #tpu.memory_space<vmem>>, vector<1x2000x128xf32>
    %get3A_13 = vector.shape_cast %get3A_12 : vector<1x2000x128xf32> to vector<2000x128xf32>
    %add3A_14 = arith.addf %add3A, %get3A_13 : vector<2000x128xf32>
    %get3A_15 = arith.constant 0 : index
    %get3A_16 = arith.constant 0 : index
    %get3A_17 = vector.load %arg3[%get3A_15, %get3A_16] : memref<1x128xf32, #tpu.memory_space<vmem>>, vector<1x128xf32>
    %add3A_18 = vector.broadcast %get3A_17 : vector<1x128xf32> to vector<2000x128xf32>
    %add3A_19 = arith.addf %add3A_14, %add3A_18 : vector<2000x128xf32>
    %swap3A = arith.constant 0 : index
    %swap3A_20 = arith.constant 0 : index
    %swap3A_21 = vector.load %arg4[%swap3A, %swap3A_20] : memref<2000x128xf32, #tpu.memory_space<vmem>>, vector<2000x128xf32>
    tpu.vector_store %arg4[%swap3A, %swap3A_20], %add3A_19 {strides = array<i32>} : memref<2000x128xf32, #tpu.memory_space<vmem>>, vector<2000x128xf32>,
    return
  }
  func.func @transform_0(%arg0: i32) -> (i32, i32, i32) {
    %c0_i32 = arith.constant 0 : i32
    %c0_i32_0 = arith.constant 0 : i32
    %c0_i32_1 = arith.constant 0 : i32
    return %c0_i32, %arg0, %c0_i32_0 : i32, i32, i32
  }
  func.func @transform_1(%arg0: i32) -> (i32, i32, i32) {
    %c8_i32 = arith.constant 8 : i32
    %c0_i32 = arith.constant 0 : i32
    %c0_i32_0 = arith.constant 0 : i32
    return %c8_i32, %arg0, %c0_i32 : i32, i32, i32
  }
  func.func @transform_2(%arg0: i32) -> (i32, i32) {
    %c0_i32 = arith.constant 0 : i32
    %c0_i32_0 = arith.constant 0 : i32
    %c0_i32_1 = arith.constant 0 : i32
    return %c0_i32, %c0_i32_0 : i32, i32
  }
  func.func @transform_3(%arg0: i32) -> (i32, i32) {
    %c0_i32 = arith.constant 0 : i32
    %c0_i32_0 = arith.constant 0 : i32
    return %arg0, %c0_i32 : i32, i32
  }
}

</mosaic_0001>

<sc_bundles>
// kernel: kernel.10.cloned.1.call-start
scs
__scs_entry_jumppad:
0x0: {  	(pc) =	sbr.rel $0x88, $3  }
0x1: {  	(tag) =	ssettag $0x0;
	lr =	simm.s32 $0x1  }
0x2: {  	[smem:$0x3F98] =	sst lr;
	_ =	strace $0xD0000000  }
0x3: {  	_ = 	snop  }
0x4: {  	_ = 	snop  }
0x5: {  	_ = 	snop  }
0x6: {  	_ = 	snop  }
0x7: {  	_ = 	snop  }
__scs_overlays_trampoline_lowered:
0x8: {  	[smem:$0x3FA7] =	sst s0  }
0x9: {  	[smem:$0x3FA8] =	sst s1  }
0xa: {  	[smem:$0x3FA9] =	sst s2  }
0xb: {  	[smem:$0x3FAA] =	sst s3  }
0xc: {  	[smem:$0x3FAB] =	sst s4  }
0xd: {  	[smem:$0x3FAC] =	sst s5  }
0xe: {  	[smem:$0x3FAD] =	sst s6  }
0xf: {  	[smem:$0x3FAE] =	sst s7  }
0x10: {  	[smem:$0x3FAF] =	sst s8  }
0x11: {  	[smem:$0x3FB0] =	sst s9;
	s0 =	simm.s32 @!p0 $0x0  }
0x12: {  	s1 =	sld [smem:$0x3F96];
	s0 =	simm.s32 @p0 $0x1  }
0x13: {  	[smem:$0x3FB1] =	sst s0;
	s0 =	simm.s32 @!p1 $0x0  }
0x14: {  	s2 =	sld [smem:$0x3F95];
	s0 =	simm.s32 @p1 $0x1  }
0x15: {  	[smem:$0x3FB2] =	sst s0;
	s0 =	simm.s32 @!p2 $0x0  }
0x16: {  	s3 =	sld [smem:$0x3FDB];
	s0 =	simm.s32 @p2 $0x1  }
0x17: {  	s4 =	simm.s32 $0x1BF5;
	[smem:$0x3FB4] =	sst s0  }
0x18: {  	s0 =	sld [smem:$0x3F97];
	_ =	swait.ge [sflag:s4], $0x0  }
0x19: {  	s7 =	sld [smem:$0x3F98]  }
0x1a: {  	s8 =	sadd.s32 $0xFFFFE003, lr  }
0x1b: {  	s9 =	sadd.s32 $0xFFFFFEF7, lr;
	s5 =	simm.s32 $0xFFFFFFFF;
	p2 =	slt.u32 s8, $0xFFFFF086  }
0x1c: {  	p1 =	slt.u32 s9, $0xF7A;
	s5 =	simm.s32 @!p2 $0x0  }
0x1d: {  	s5 =	simm.s32 @p1 $0x1;
	p0 =	seq.s32 s7, s2  }
0x1e: {  	s7 =	smul.u32 @!p0 $0xF7A, s2;
	p2 =	seq.s32 @!p0 s5, $0x0  }
0x1f: {  	s9 =	smul.u32 $0xF7A, s1;
	s8 =	simm.s32 @!p0 $0x1BF5;
	p2 =	por !p2, p0  }
0x20: {  	[sflag:s8] =	ssyncset.s32 @!p0 $0xFFFFF086;
	s6 =	sadd.s32 @!p0 s3, s7;
	s7 =	simm.s32 @!p0 $0x108  }
0x21: {  	s3 =	sadd.s32 s3, s9;
	s6 =	sadd.s32 @!p0 $0x88, s6;
	s7 =	simm.s32 @p2 $0x1082  }
0x22: {  	[simem:s7], [sflag:s8] =	dma.local @!p0 [hbm:s6], $0xF7A  }
0x23: {  	s9 =	sor.u32 $0xD0000000, s2;
	s6 =	simm.s32 $0x108;
	_ =	swait.ge @!p0 [sflag:s8], $0x0  }
0x24: {  	s3 =	sadd.s32 $0x88, s3;
	s6 =	simm.s32 @!p1 $0x1082;
	[sflag:s4] =	ssyncset.s32 $0xFFFFF086  }
0x25: {  	[simem:s6], [sflag:s4] =	dma.local [hbm:s3], $0xF7A  }
0x26: {  	[smem:$0x3F98] =	sst s1;
	(tag) =	ssettag s2;
	_ =	strace s9  }
0x27: {  	s1 =	sld [smem:$0x3FA8]  }
0x28: {  	s2 =	sld [smem:$0x3FA9]  }
0x29: {  	s4 =	sld [smem:$0x3FAB]  }
0x2a: {  	p0 =	seq.s32 s5, $0x0;
	s5 =	sld [smem:$0x3FAC]  }
0x2b: {  	s6 =	sld [smem:$0x3FAD]  }
0x2c: {  	s7 =	sld [smem:$0x3FAE]  }
0x2d: {  	s3 =	simm.s32 $0x108;
	s8 =	sld [smem:$0x3FAF]  }
0x2e: {  	s3 =	simm.s32 @!p0 $0x1082;
	s9 =	sld [smem:$0x3FB0]  }
0x2f: {  	lr =	sadd.s32 s0, s3;
	s0 =	sld [smem:$0x3FA7]  }
0x30: {  	s3 =	sld [smem:$0x3FAA]  }
0x31: {  	[smem:$0x3FB3] =	sst s10  }
0x32: {  	s10 =	sld [smem:$0x3FB1];
	_ =	sdelay $0x3  }
0x33: {  	p0 =	seq.s32 s10, $0x1;
	s10 =	sld [smem:$0x3FB3];
	_ =	sdelay $0x3  }
0x34: {  	[smem:$0x3FB3] =	sst s10  }
0x35: {  	s10 =	sld [smem:$0x3FB2];
	_ =	sdelay $0x3  }
0x36: {  	p1 =	seq.s32 s10, $0x1;
	s10 =	sld [smem:$0x3FB3];
	_ =	sdelay $0x3  }
0x37: {  	[smem:$0x3FB3] =	sst s10  }
0x38: {  	s10 =	sld [smem:$0x3FB4]  }
0x39: {  	_ = 	snop;
	(pc) =	sbr.ind lr, $3  }
0x3a: {  	_ = 	snop  }
0x3b: {  	_ = 	snop  }
0x3c: {  	p2 =	seq.s32 s10, $0x1;
	s10 =	sld [smem:$0x3FB3]  }
0x3d: {  	_ =	shalt  }
0x3e: {  	_ =	shalt  }
0x3f: {  	_ =	shalt  }
0x40: {  	_ =	shalt  }
0x41: {  	_ =	shalt  }
0x42: {  	_ =	shalt  }
0x43: {  	_ =	shalt  }
0x44: {  	_ =	shalt  }
0x45: {  	_ =	shalt  }
0x46: {  	_ =	shalt  }
0x47: {  	_ =	shalt  }
0x48: {  	_ =	shalt  }
0x49: {  	_ =	shalt  }
0x4a: {  	_ =	shalt  }
0x4b: {  	_ =	shalt  }
0x4c: {  	_ =	shalt  }
0x4d: {  	_ =	shalt  }
0x4e: {  	_ =	shalt  }
0x4f: {  	_ =	shalt  }
0x50: {  	_ =	shalt  }
0x51: {  	_ =	shalt  }
0x52: {  	_ =	shalt  }
0x53: {  	_ =	shalt  }
0x54: {  	_ =	shalt  }
0x55: {  	_ =	shalt  }
0x56: {  	_ =	shalt  }
0x57: {  	_ =	shalt  }
0x58: {  	_ =	shalt  }
0x59: {  	_ =	shalt  }
0x5a: {  	_ =	shalt  }
0x5b: {  	_ =	shalt  }
0x5c: {  	_ =	shalt  }
0x5d: {  	_ =	shalt  }
0x5e: {  	_ =	shalt  }
0x5f: {  	_ =	shalt  }
0x60: {  	_ =	shalt  }
0x61: {  	_ =	shalt  }
0x62: {  	_ =	shalt  }
0x63: {  	_ =	shalt  }
0x64: {  	_ =	shalt  }
0x65: {  	_ =	shalt  }
0x66: {  	_ =	shalt  }
0x67: {  	_ =	shalt  }
0x68: {  	_ =	shalt  }
0x69: {  	_ =	shalt  }
0x6a: {  	_ =	shalt  }
0x6b: {  	_ =	shalt  }
0x6c: {  	_ =	shalt  }
0x6d: {  	_ =	shalt  }
0x6e: {  	_ =	shalt  }
0x6f: {  	_ =	shalt  }
0x70: {  	_ =	shalt  }
0x71: {  	_ =	shalt  }
0x72: {  	_ =	shalt  }
0x73: {  	_ =	shalt  }
0x74: {  	_ =	shalt  }
0x75: {  	_ =	shalt  }
0x76: {  	_ =	shalt  }
0x77: {  	_ =	shalt  }
0x78: {  	_ =	shalt  }
0x79: {  	_ =	shalt  }
0x7a: {  	_ =	shalt  }
0x7b: {  	_ =	shalt  }
0x7c: {  	_ =	shalt  }
0x7d: {  	_ =	shalt  }
0x7e: {  	_ =	shalt  }
0x7f: {  	_ =	shalt  }
0x80: {  	_ =	shalt  }
0x81: {  	_ =	shalt  }
0x82: {  	_ =	shalt  }
0x83: {  	_ =	shalt  }
0x84: {  	_ =	shalt  }
0x85: {  	_ =	shalt  }
0x86: {  	_ =	shalt  }
0x87: {  	_ =	shalt  }
.Lfunc_end0:
.L_simem_size_0:
called_computation.1_lowered:
.L_overlay_start_0:
0x88: {  	s2 =	sld [smem:$0x3FD9]  }
0x89: {  	s3 =	sld [smem:$0x3FFE];
	_ =	sdelay $0x1  }
0x8a: {  	s1 =	srdreg.scid  }
0x8b: {  	s0 =	sand.u32 $0x1, s1  }
0x8c: {  	s17 =	sshll.u32 s0, $0xA;
	s2 =	sadd.s32 s3, s2  }
0x8d: {  	s2 =	sadd.s32 s2, s17  }
0x8e: {  	[smem:$0x3FBF] =	sst s2  }
0x8f: {  	_ = 	snop  }
0x90: {  	s2 =	sld [smem:$0x3FD0];
	(tm) =	ssettm $0x1  }
0x91: {  	s18 =	sld [smem:$0x3FFB];
	_ =	sdelay $0x3  }
0x92: {  	_ =	strace s18  }
0x93: {  	s3 =	sld [smem:$0x3FFC];
	_ =	sdelay $0x3  }
0x94: {  	_ =	strace s3  }
0x95: {  	s3 =	sld [smem:$0x3FFD];
	_ =	sdelay $0x3  }
0x96: {  	_ =	strace s3  }
0x97: {  	_ =	strace $0x8FFFFFFF  }
0x98: {  	s19 =	sld [smem:$0x3FDB];
	_ =	sdelay $0x1  }
0x99: {  	s4 =	simm.s32 $_scs_section_size  }
0x9a: {  	s5 =	simm.s32 $_size__tile_overlayer_lowered;
	s6 =	simm.s32 $_tile_overlayer_lowered  }
0x9b: {  	s22 =	simm.s32 $0x1BFF;
	s21 =	sshll.u32 s6, $0x1;
	s3 =	sadd.s32 s4, s19  }
0x9c: {  	s7 =	simm.s32 $0x0;
	s20 =	sshll.u32 s5, $0x1;
	s5 =	sadd.s32 s21, s3  }
0x9d: {  	[timem:s7], [sflag:s22] =	dma.local [hbm:s5], s20  }
0x9e: {  	_ =	swait.ge [sflag:s22], s20  }
0x9f: {  	s4 =	ssub.s32 $0x0, s20;
	[sflag:s22] =	ssyncset.done $0x0  }
0xa0: {  	[sflag:s22] =	ssyncadd.s32 s4;
	_ =	sdelay $0x1  }
0xa1: {  	s23 =	simm.s32 $0x1B8B  }
0xa2: {  	_ =	swait.ge [sflag:s23], $0x1  }
0xa3: {  	[sflag:s23] =	ssyncset.done $0x0  }
0xa4: {  	s25 =	simm.s32 $0x1B8E;
	s24 =	sld [smem:$0x3FFE];
	[sflag:s23] =	ssyncadd.s32 $0xFFFFFFFF  }
0xa5: {  	s26 =	simm.s32 $execute0_lowered;
	[smem:$0x3FD2] =	sst s25  }
0xa6: {  	s5 =	sshll.u32 s26, $0x1;
	_ =	strace $0x80000049;
	[dreg:$0x1] =	wrdreg $0xFFFFFFFF  }
0xa7: {  	s28 =	simm.s32 $_size_execute0_lowered;
	s3 =	sadd.s32 s3, s5;
	[dreg:$0x0] =	wrdreg $0x0  }
0xa8: {  	s5 =	sshll.u32 s28, $0x1;
	[dreg:$0x2] =	wrdreg s3  }
0xa9: {  	[dreg:$0x3] =	wrdreg s5  }
0xaa: {  	[dreg:$0x4] =	wrdreg $0xC0  }
0xab: {  	_ =	task [dreg:s7], $0x5FFFF  }
0xac: {  	[dreg:$0x1] =	wrdreg $0xFFFFFFFF  }
0xad: {  	[dreg:$0x0] =	wrdreg $0x60  }
0xae: {  	[dreg:$0x2] =	wrdreg s24  }
0xaf: {  	[dreg:$0x3] =	wrdreg s2  }
0xb0: {  	[dreg:$0x4] =	wrdreg $0x0  }
0xb1: {  	[dreg:$0x5] =	wrdreg $0x9  }
0xb2: {  	_ =	task.clear_ibuf [dreg:s7], $0x6FFFF;
	_ =	strace $0x90000049  }
0xb3: {  	s29 =	simm.s32 $0x9;
	_ =	strace $0x8000004B  }
0xb4: {  	_ =	swait.ge [sflag:s29], $0x1  }
0xb5: {  	[sflag:s29] =	ssyncadd.s32 $0xFFFFFFFF  }
0xb6: {  	_ =	strace $0x9000004B  }
0xb7: {  	_ =	sfence  }
0xb8: {  	s30 =	sld [smem:$0x0];
	_ =	sdelay $0x2  }
0xb9: {  	s31 =	sshll.u32 s1, $0xD;
	s1 =	sshrl.u32 s1, $0x2  }
0xba: {  	s3 =	sand.u32 $0x4000, s31;
	s1 =	sadd.s32 s1, s30  }
0xbb: {  	s0 =	sor.u32 s3, s0;
	s1 =	sshll.u32 s1, $0x11  }
0xbc: {  	s0 =	sor.u32 s1, s0  }
0xbd: {  	s0 =	sadd.s32 $0x8F2B, s0  }
0xbe: {  	[sflag:s0] =	ssyncadd.remote.s32 $0x1  }
0xbf: {  	_ =	sfence.sel $0xFFFF  }
0xc0: {  	[dreg:$0x0] =	wrdreg $0xFFFFFFFF;
	(pc) =	sbr.abs _section_cstart, $3  }
0xc1: {  	[dreg:$0x1] =	wrdreg $0xFFFFFFFF  }
0xc2: {  	_ =	task.clear_ibuf [dreg:s7], $0x2FFFF;
	_ =	strace $0x9FFFFFFF  }
0xc3: {  	(tm) =	ssettm $0x7FFFFFFF  }
tec
execute0_lowered:
.L_overlay_start_1:
0x0: {  	(tag) =	ssettag $0x1  }
0x1: {  	s5 =	rddreg [dreg:$0x0]  }
0x2: {  	s6 =	rddreg [dreg:$0x1]  }
0x3: {  	s2 =	rddreg [dreg:$0x2];
	s1 =	srdreg.scid  }
0x4: {  	s0 =	rddreg [dreg:$0x3];
	s3 =	simm.s32 $0x0;
	s13 =	simm.s32 $0x14000  }
0x5: {  	s14 =	simm.s32 $0x2;
	s15 =	simm.s32 $0x16980;
	s16 =	simm.s32 $0x80  }
0x6: {  	s17 =	simm.s32 $0x16780;
	s18 =	simm.s32 $0x16880;
	s19 =	simm.s32 $0x1A980  }
0x7: {  	s20 =	simm.s32 $0x1;
	s21 =	simm.s32 $0x16800;
	s4 =	sand.u32 $0x1, s1  }
0x8: {  	s22 =	simm.s32 $0x16900;
	s1 =	stileid.u32;
	s7 =	smul.u32 $0x140000, s4  }
0x9: {  	s25 =	simm.s32 $0x0;
	[smem:$0x7FF] =	sst s3;
	s8 =	smul.u32 $0x14000, s1  }
0xa: {  	s9 =	sshll.u32 s4, $0x4;
	_ =	strace $0x8000004A;
	s29 =	ssub.s32 $0x2, s4  }
0xb: {  	s10 =	smul.u32 $0x50000, s1;
	s4 =	sadd.s32 $0x161200, s5;
	s23 =	sshll.u32 s1, $0x6  }
0xc: {  	s9 =	sor.u32 s1, s9;
	s30 =	sshrl.u32 s29, $0x1;
	s23 =	sor.u32 $0x1C02, s23  }
0xd: {  	s7 =	sadd.s32 s8, s7;
	s28 =	smul.u32 $0x500, s9;
	s9 =	ssub.s32 s29, s30  }
0xe: {  	s31 =	sshrl.u32 s10, $0x2;
	s7 =	sshrl.u32 s7, $0x3;
	s8 =	smax.u32 s9, $0x1  }
0xf: {  	s7 =	sadd.s32 s7, s5;
	s5 =	sadd.s32 s6, s28;
	s6 =	sadd.s32 s31, s2  }
0x10: {  	s7 =	sadd.s32 $0x1800, s7;
	s9 =	sadd.s32 $0x4000, s6;
	s10 =	sadd.s32 $0x8000, s6  }
0x11: {  	v0 =	vimm.f32 $0.0e+00;
	s11 =	sadd.s32 $0xC000, s6;
	s12 =	sadd.s32 $0x10000, s6;
	s24 =	sshrl.u32 s6, $0x3  }
.LBB2_1:
0x12: {  	[tilespmem:s13], [sflag:$0x2] =	stream.linear.gather [hbm4b:s5+s3], $0x2780, $0x38;
	[tilespmem:$0x1E980] =	vst v63  }
0x13: {  	_ =	swait.ge [sflag:s14], $0x2780  }
0x14: {  	[sflag:s14] =	ssyncset.done $0x0  }
0x15: {  	s26 =	simm.s32 $0x0;
	s28 =	simm.s32 $0x200;
	[sflag:s14] =	ssyncadd.s32 $0xFFFFD880  }
.LBB2_2:
0x16: {  	p0 =	sne.s32 s28, $0xFE00;
	[tilespmem:s26+$0x169F0] =	vst v0  }
0x17: {  	[tilespmem:s26+$0x16980] =	vst v0  }
0x18: {  	[tilespmem:s26+$0x16990] =	vst v0  }
.Ltmp0:
0x19: {  	[tilespmem:s26+$0x169A0] =	vst v0;
	(pc) =	sbr.rel @p0 .LBB2_2-.Ltmp0, $4  }
0x1a: {  	[tilespmem:s26+$0x169B0] =	vst v0  }
0x1b: {  	[tilespmem:s26+$0x169C0] =	vst v0  }
0x1c: {  	[tilespmem:s26+$0x169D0] =	vst v0  }
0x1d: {  	[tilespmem:s26+$0x169E0] =	vst v0;
	s26 =	sshra.s32 s28, $0x2;
	s28 =	sadd.s32 $0x200, s28  }
0x1e: {  	[tilespmem:s26+$0x169F0] =	vst v0  }
0x1f: {  	[tilespmem:s26+$0x16980] =	vst v0  }
0x20: {  	[tilespmem:s26+$0x16990] =	vst v0  }
0x21: {  	[tilespmem:s26+$0x169A0] =	vst v0  }
0x22: {  	[tilespmem:s26+$0x169B0] =	vst v0  }
0x23: {  	[tilespmem:s26+$0x169C0] =	vst v0  }
0x24: {  	[tilespmem:s26+$0x169D0] =	vst v0  }
0x25: {  	[tilespmem:s26+$0x169E0] =	vst v0  }
0x26: {  	[spmem:s6] =	stream.linear.scatter [tilespmem:s15], [sflag:$0x2], $0x4000, $0x38;
	[tilespmem:$0x1E980] =	vst v63  }
0x27: {  	_ =	swait.ge [sflag:s14], $0x4000  }
0x28: {  	[sflag:s14] =	ssyncset.done $0x0  }
0x29: {  	[sflag:s14] =	ssyncadd.s32 $0xFFFFC000  }
0x2a: {  	[spmem:s9] =	stream.linear.scatter [tilespmem:s15], [sflag:$0x2], $0x4000, $0x38;
	[tilespmem:$0x1E980] =	vst v63  }
0x2b: {  	_ =	swait.ge [sflag:s14], $0x4000  }
0x2c: {  	[sflag:s14] =	ssyncset.done $0x0  }
0x2d: {  	[sflag:s14] =	ssyncadd.s32 $0xFFFFC000  }
0x2e: {  	[spmem:s10] =	stream.linear.scatter [tilespmem:s15], [sflag:$0x2], $0x4000, $0x38;
	[tilespmem:$0x1E980] =	vst v63  }
0x2f: {  	_ =	swait.ge [sflag:s14], $0x4000  }
0x30: {  	[sflag:s14] =	ssyncset.done $0x0  }
0x31: {  	[sflag:s14] =	ssyncadd.s32 $0xFFFFC000  }
0x32: {  	[spmem:s11] =	stream.linear.scatter [tilespmem:s15], [sflag:$0x2], $0x4000, $0x38;
	[tilespmem:$0x1E980] =	vst v63  }
0x33: {  	_ =	swait.ge [sflag:s14], $0x4000  }
0x34: {  	[sflag:s14] =	ssyncset.done $0x0  }
0x35: {  	[sflag:s14] =	ssyncadd.s32 $0xFFFFC000  }
0x36: {  	[spmem:s12] =	stream.linear.scatter [tilespmem:s15], [sflag:$0x2], $0x4000, $0x38;
	[tilespmem:$0x1E980] =	vst v63  }
0x37: {  	_ =	swait.ge [sflag:s14], $0x4000  }
0x38: {  	[sflag:s14] =	ssyncset.done $0x0  }
0x39: {  	[sflag:s14] =	ssyncadd.s32 $0xFFFFC000  }
0x3a: {  	s26 =	simm.s32 $0x0;
	[bflag:$0x0] =	sbarrier.arrive $0xFFFF  }
0x3b: {  	v1 =	vld [tilespmem:s26+$0x140F0];
	_ =	sdelay $0x1  }
0x3c: {  	v2 =	vld [tilespmem:s26+$0x140E0]  }
0x3d: {  	v3 =	vld [tilespmem:s26+$0x14060];
	_ =	sdelay $0x1  }
0x3e: {  	v4 =	vshrl.u32 v1, $0xE  }
0x3f: {  	v5 =	vld [tilespmem:s26+$0x14050];
	v1 =	vand.u32 $0x3FFF, v1;
	[tilespmem:$0x168F0] =	vst v4  }
0x40: {  	v6 =	vshrl.u32 v2, $0xE;
	v4 =	vld [tilespmem:s26+$0x14000];
	[tilespmem:$0x16970] =	vst v1  }
0x41: {  	v7 =	vand.u32 $0x3FFF, v3;
	v1 =	vld [tilespmem:s26+$0x14010];
	[tilespmem:$0x168E0] =	vst v6  }
0x42: {  	v3 =	vshrl.u32 v3, $0xE;
	[tilespmem:$0x16860] =	vst v7  }
0x43: {  	v2 =	vand.u32 $0x3FFF, v2;
	[tilespmem:$0x167E0] =	vst v3  }
0x44: {  	v3 =	vand.u32 $0x3FFF, v5;
	v6 =	vld [tilespmem:s26+$0x14090];
	[tilespmem:$0x16960] =	vst v2  }
0x45: {  	[tilespmem:$0x16850] =	vst v3;
	v3 =	vld [tilespmem:s26+$0x14040];
	v2 =	vand.u32 $0x3FFF, v4  }
0x46: {  	v7 =	vand.u32 $0x3FFF, v1;
	[tilespmem:$0x16800] =	vst v2  }
0x47: {  	v8 =	vld [tilespmem:s26+$0x14030];
	v1 =	vshrl.u32 v1, $0xE;
	[tilespmem:$0x16810] =	vst v7  }
0x48: {  	v2 =	vshrl.u32 v4, $0xE;
	v4 =	vld [tilespmem:s26+$0x14080];
	[tilespmem:$0x16790] =	vst v1  }
0x49: {  	v1 =	vld [tilespmem:s26+$0x14070];
	v7 =	vand.u32 $0x3FFF, v6;
	[tilespmem:$0x16780] =	vst v2  }
0x4a: {  	v10 =	vld [tilespmem:s26+$0x14020];
	v11 =	vshrl.u32 v3, $0xE;
	[tilespmem:$0x16910] =	vst v7  }
0x4b: {  	v2 =	vshrl.u32 v5, $0xE;
	[tilespmem:$0x167C0] =	vst v11  }
0x4c: {  	v5 =	vshrl.u32 v6, $0xE;
	[tilespmem:$0x167D0] =	vst v2  }
0x4d: {  	v9 =	vld [tilespmem:s26+$0x140B0];
	v6 =	vand.u32 $0x3FFF, v3;
	v3 =	vand.u32 $0x3FFF, v8;
	[tilespmem:$0x16890] =	vst v5;
	v2 =	vshrl.u32 v8, $0xE  }
0x4e: {  	[tilespmem:$0x16840] =	vst v6;
	v6 =	vld [tilespmem:s26+$0x140A0];
	v5 =	vand.u32 $0x3FFF, v4;
	v8 =	vshrl.u32 v4, $0xE;
	v7 =	vshrl.u32 v1, $0xE  }
0x4f: {  	s28 =	simm.s32 $0x400;
	v4 =	vand.u32 $0x3FFF, v10;
	[tilespmem:$0x16900] =	vst v5;
	v5 =	vand.u32 $0x3FFF, v1;
	v1 =	vshrl.u32 v10, $0xE  }
.LBB2_4:
0x50: {  	p0 =	sne.s32 s28, $0x9800;
	[tilespmem:$0x16880] =	vst v8;
	s29 =	smov.u32 s28;
	s28 =	sadd.s32 $0x400, s28  }
0x51: {  	[tilespmem:$0x16830] =	vst v3  }
0x52: {  	[tilespmem:$0x167F0] =	vst v7;
	v3 =	vshrl.u32 v9, $0xE;
	v7 =	vand.u32 $0x3FFF, v9;
	v8 =	vld [tilespmem:s26+$0x140C0]  }
0x53: {  	[tilespmem:$0x167B0] =	vst v2;
	v2 =	vshrl.u32 v6, $0xE;
	v6 =	vand.u32 $0x3FFF, v6  }
0x54: {  	[tilespmem:$0x16930] =	vst v7;
	v7 =	vld [tilespmem:s26+$0x140D0]  }
0x55: {  	[tilespmem:$0x16870] =	vst v5  }
0x56: {  	[tilespmem:$0x168B0] =	vst v3  }
0x57: {  	[tilespmem:$0x16820] =	vst v4;
	v3 =	vshrl.u32 v8, $0xE;
	v4 =	vand.u32 $0x3FFF, v8  }
0x58: {  	[tilespmem:$0x168A0] =	vst v2  }
0x59: {  	[tilespmem:$0x16940] =	vst v4;
	v2 =	vshrl.u32 v7, $0xE;
	v4 =	vand.u32 $0x3FFF, v7  }
0x5a: {  	[tilespmem:$0x167A0] =	vst v1  }
0x5b: {  	[tilespmem:$0x16950] =	vst v4  }
0x5c: {  	[tilespmem:$0x168C0] =	vst v3  }
0x5d: {  	[tilespmem:$0x16920] =	vst v6  }
0x5e: {  	[tilespmem:$0x168D0] =	vst v2  }
0x5f: {  	[tilespmem:s15], [sflag:$0x1] =	stream.indirect.gather [hbm4b:s4+s16], $0x80, s17, s16, $0xb8;
	[tilespmem:$0x1E980] =	vst v63  }
0x60: {  	_ = 	snop  }
0x61: {  	[tilespmem:s19], [sflag:$0x1] =	stream.indirect.gather [hbm4b:s4+s16], $0x80, s18, s16, $0xb8;
	[tilespmem:$0x1E980] =	vst v63  }
0x62: {  	_ =	swait.ge [sflag:s20], $0x4000  }
0x63: {  	[sflag:s20] =	ssyncset.done $0x0  }
0x64: {  	[sflag:s20] =	ssyncadd.s32 $0xFFFFC000  }
0x65: {  	_ =	swait.ge [sflag:s20], $0x4000  }
0x66: {  	[sflag:s20] =	ssyncset.done $0x0  }
0x67: {  	[sflag:s20] =	ssyncadd.s32 $0xFFFFC000  }
0x68: {  	[spmem:s2] =	stream.indirect.scatter.add.f32 [tilespmem:s15], [sflag:$0x2], $0x80, s21, s16, $0xb8;
	[tilespmem:$0x1E980] =	vst v63  }
0x69: {  	_ =	swait.ge [sflag:s14], $0x4000  }
0x6a: {  	[sflag:s14] =	ssyncset.done $0x0  }
0x6b: {  	[sflag:s14] =	ssyncadd.s32 $0xFFFFC000  }
0x6c: {  	[spmem:s2] =	stream.indirect.scatter.add.f32 [tilespmem:s19], [sflag:$0x2], $0x80, s22, s16, $0xb8;
	[tilespmem:$0x1E980] =	vst v63  }
0x6d: {  	_ =	swait.ge [sflag:s14], $0x4000  }
0x6e: {  	[sflag:s14] =	ssyncset.done $0x0  }
0x6f: {  	s26 =	sshra.s32 s29, $0x2;
	[sflag:s14] =	ssyncadd.s32 $0xFFFFC000  }
0x70: {  	v1 =	vld [tilespmem:s26+$0x140F0]  }
0x71: {  	v2 =	vld [tilespmem:s26+$0x140E0]  }
0x72: {  	v3 =	vld [tilespmem:s26+$0x14060]  }
0x73: {  	v4 =	vld [tilespmem:s26+$0x14010]  }
0x74: {  	v5 =	vld [tilespmem:s26+$0x14000]  }
0x75: {  	v6 =	vld [tilespmem:s26+$0x14050];
	v7 =	vshrl.u32 v1, $0xE;
	v1 =	vand.u32 $0x3FFF, v1  }
0x76: {  	v8 =	vld [tilespmem:s26+$0x14040];
	v9 =	vshrl.u32 v2, $0xE;
	v2 =	vand.u32 $0x3FFF, v2;
	[tilespmem:$0x168F0] =	vst v7  }
0x77: {  	v7 =	vld [tilespmem:s26+$0x14030];
	v10 =	vshrl.u32 v3, $0xE;
	v3 =	vand.u32 $0x3FFF, v3;
	[tilespmem:$0x16970] =	vst v1  }
0x78: {  	v1 =	vshrl.u32 v4, $0xE;
	v4 =	vand.u32 $0x3FFF, v4;
	[tilespmem:$0x168E0] =	vst v9  }
0x79: {  	v9 =	vshrl.u32 v5, $0xE;
	v5 =	vand.u32 $0x3FFF, v5;
	[tilespmem:$0x16860] =	vst v3  }
0x7a: {  	v11 =	vshrl.u32 v6, $0xE;
	v6 =	vand.u32 $0x3FFF, v6;
	[tilespmem:$0x167E0] =	vst v10;
	v10 =	vld [tilespmem:s26+$0x14090]  }
0x7b: {  	v12 =	vshrl.u32 v8, $0xE;
	v13 =	vand.u32 $0x3FFF, v8;
	v14 =	vld [tilespmem:s26+$0x14080];
	[tilespmem:$0x16960] =	vst v2  }
0x7c: {  	v2 =	vshrl.u32 v7, $0xE;
	v3 =	vand.u32 $0x3FFF, v7;
	[tilespmem:$0x16850] =	vst v6;
	v6 =	vld [tilespmem:s26+$0x14070]  }
0x7d: {  	[tilespmem:$0x16800] =	vst v5;
	v15 =	vld [tilespmem:s26+$0x14020]  }
0x7e: {  	[tilespmem:$0x16810] =	vst v4  }
0x7f: {  	[tilespmem:$0x16790] =	vst v1;
	v16 =	vshrl.u32 v10, $0xE;
	v1 =	vand.u32 $0x3FFF, v10  }
0x80: {  	[tilespmem:$0x16780] =	vst v9;
	v8 =	vshrl.u32 v14, $0xE;
	v10 =	vand.u32 $0x3FFF, v14  }
0x81: {  	v7 =	vshrl.u32 v6, $0xE;
	v5 =	vand.u32 $0x3FFF, v6;
	[tilespmem:$0x16910] =	vst v1  }
.Ltmp1:
0x82: {  	v1 =	vshrl.u32 v15, $0xE;
	v4 =	vand.u32 $0x3FFF, v15;
	[tilespmem:$0x167D0] =	vst v11;
	(pc) =	sbr.rel @p0 .LBB2_4-.Ltmp1, $4  }
0x83: {  	[tilespmem:$0x16890] =	vst v16  }
0x84: {  	[tilespmem:$0x16840] =	vst v13;
	v9 =	vld [tilespmem:s26+$0x140B0]  }
0x85: {  	[tilespmem:$0x16900] =	vst v10;
	v6 =	vld [tilespmem:s26+$0x140A0]  }
0x86: {  	[tilespmem:$0x167C0] =	vst v12  }
0x87: {  	[tilespmem:$0x16880] =	vst v8  }
0x88: {  	[tilespmem:$0x16830] =	vst v3  }
0x89: {  	[tilespmem:$0x167F0] =	vst v7  }
0x8a: {  	[tilespmem:$0x167B0] =	vst v2  }
0x8b: {  	v59 =	vld [tilespmem:s26+$0x140C0];
	[tilespmem:$0x16870] =	vst v5  }
0x8c: {  	[tilespmem:$0x16820] =	vst v4;
	v3 =	vand.u32 $0x3FFF, v9  }
0x8d: {  	[tilespmem:$0x16930] =	vst v3;
	v3 =	vld [tilespmem:s26+$0x140D0]  }
0x8e: {  	[tilespmem:$0x167A0] =	vst v1;
	v2 =	vshrl.u32 v9, $0xE  }
0x8f: {  	[tilespmem:$0x168B0] =	vst v2;
	v2 =	vshrl.u32 v6, $0xE  }
0x90: {  	[tilespmem:$0x168A0] =	vst v2;
	v60 =	vand.u32 $0x3FFF, v59  }
0x91: {  	v1 =	vshrl.u32 v59, $0xE;
	[tilespmem:$0x16940] =	vst v60  }
0x92: {  	[tilespmem:$0x168C0] =	vst v1;
	v2 =	vand.u32 $0x3FFF, v3  }
0x93: {  	v1 =	vshrl.u32 v3, $0xE;
	[tilespmem:$0x16950] =	vst v2  }
0x94: {  	v2 =	vand.u32 $0x3FFF, v6;
	[tilespmem:$0x168D0] =	vst v1  }
0x95: {  	[tilespmem:$0x16920] =	vst v2  }
0x96: {  	[tilespmem:s15], [sflag:$0x1] =	stream.indirect.gather [hbm4b:s4+s16], $0x80, s17, s16, $0xb8;
	[tilespmem:$0x1E980] =	vst v63  }
0x97: {  	_ = 	snop  }
0x98: {  	[tilespmem:s19], [sflag:$0x1] =	stream.indirect.gather [hbm4b:s4+s16], $0x80, s18, s16, $0xb8;
	[tilespmem:$0x1E980] =	vst v63  }
0x99: {  	_ =	swait.ge [sflag:s20], $0x4000  }
0x9a: {  	[sflag:s20] =	ssyncset.done $0x0  }
0x9b: {  	[sflag:s20] =	ssyncadd.s32 $0xFFFFC000  }
0x9c: {  	_ =	swait.ge [sflag:s20], $0x4000  }
0x9d: {  	[sflag:s20] =	ssyncset.done $0x0  }
0x9e: {  	[sflag:s20] =	ssyncadd.s32 $0xFFFFC000  }
0x9f: {  	[spmem:s2] =	stream.indirect.scatter.add.f32 [tilespmem:s15], [sflag:$0x2], $0x80, s21, s16, $0xb8;
	[tilespmem:$0x1E980] =	vst v63  }
0xa0: {  	_ =	swait.ge [sflag:s14], $0x4000  }
0xa1: {  	[sflag:s14] =	ssyncset.done $0x0  }
0xa2: {  	[sflag:s14] =	ssyncadd.s32 $0xFFFFC000  }
0xa3: {  	[spmem:s2] =	stream.indirect.scatter.add.f32 [tilespmem:s19], [sflag:$0x2], $0x80, s22, s16, $0xb8;
	[tilespmem:$0x1E980] =	vst v63  }
0xa4: {  	_ =	swait.ge [sflag:s14], $0x4000  }
0xa5: {  	[sflag:s14] =	ssyncset.done $0x0  }
0xa6: {  	[sflag:s14] =	ssyncadd.s32 $0xFFFFC000  }
0xa7: {  	v1 =	vld [tilespmem:$0x16700];
	_ =	sdelay $0x1  }
0xa8: {  	v2 =	vld [tilespmem:$0x16710];
	_ =	sdelay $0x1  }
0xa9: {  	v3 =	vld [tilespmem:$0x16720]  }
0xaa: {  	v61 =	vshrl.u32 v1, $0xE  }
0xab: {  	v62 =	vld [tilespmem:$0x16730];
	v1 =	vand.u32 $0x3FFF, v1;
	[tilespmem:$0x16780] =	vst v61  }
0xac: {  	[tilespmem:$0x16800] =	vst v1;
	v1 =	vshrl.u32 v2, $0xE  }
0xad: {  	[tilespmem:$0x16790] =	vst v1;
	v1 =	vand.u32 $0x3FFF, v2;
	v2 =	vld [tilespmem:$0x16740]  }
0xae: {  	[tilespmem:$0x16810] =	vst v1;
	v1 =	vshrl.u32 v3, $0xE  }
0xaf: {  	[tilespmem:$0x167A0] =	vst v1;
	v1 =	vand.u32 $0x3FFF, v3;
	v3 =	vld [tilespmem:$0x16750]  }
0xb0: {  	[tilespmem:$0x16820] =	vst v1;
	v1 =	vshrl.u32 v62, $0xE  }
0xb1: {  	v63 =	vld [tilespmem:$0x16760];
	[tilespmem:$0x167B0] =	vst v1;
	v1 =	vand.u32 $0x3FFF, v62  }
0xb2: {  	[tilespmem:$0x16830] =	vst v1;
	v1 =	vshrl.u32 v2, $0xE  }
0xb3: {  	[tilespmem:$0x167C0] =	vst v1;
	v1 =	vand.u32 $0x3FFF, v2;
	v2 =	vld [tilespmem:$0x16770]  }
0xb4: {  	[tilespmem:$0x16840] =	vst v1;
	v1 =	vshrl.u32 v3, $0xE  }
0xb5: {  	[tilespmem:$0x167D0] =	vst v1;
	v1 =	vand.u32 $0x3FFF, v3  }
0xb6: {  	[tilespmem:$0x16850] =	vst v1;
	v1 =	vshrl.u32 v63, $0xE  }
0xb7: {  	[tilespmem:$0x167E0] =	vst v1;
	v1 =	vand.u32 $0x3FFF, v63  }
0xb8: {  	[tilespmem:$0x16860] =	vst v1;
	v1 =	vshrl.u32 v2, $0xE  }
0xb9: {  	[tilespmem:$0x167F0] =	vst v1;
	v1 =	vand.u32 $0x3FFF, v2  }
0xba: {  	[tilespmem:$0x16870] =	vst v1  }
0xbb: {  	[tilespmem:s15], [sflag:$0x1] =	stream.indirect.gather [hbm4b:s4+s16], $0x80, s17, s16, $0xb8;
	[tilespmem:$0x1E980] =	vst v63  }
0xbc: {  	_ =	swait.ge [sflag:s20], $0x4000  }
0xbd: {  	[sflag:s20] =	ssyncset.done $0x0  }
0xbe: {  	[sflag:s20] =	ssyncadd.s32 $0xFFFFC000  }
0xbf: {  	[spmem:s2] =	stream.indirect.scatter.add.f32 [tilespmem:s15], [sflag:$0x2], $0x80, s21, s16, $0xb8;
	[tilespmem:$0x1E980] =	vst v63  }
0xc0: {  	_ =	swait.ge [sflag:s14], $0x4000  }
0xc1: {  	s25 =	sadd.s32 $0x1, s25;
	[sflag:s14] =	ssyncset.done $0x0  }
0xc2: {  	p0 =	sne.s32 s25, s8;
	[sflag:s14] =	ssyncadd.s32 $0xFFFFC000  }
.Ltmp2:
0xc3: {  	[bflag:$0x0] =	sbarrier.arrive $0xFFFF;
	(pc) =	sbr.rel @p0 .LBB2_1-.Ltmp2, $4  }
0xc4: {  	[hbm:s7], [sflag:s23] =	dma.local [spmem:s24], $0x2800  }
0xc5: {  	_ =	swait.ge [sflag:s14], $0x2800  }
0xc6: {  	[sflag:s14] =	ssyncset.done $0x0  }
0xc7: {  	[sflag:s14] =	ssyncadd.s32 $0xFFFFD800  }
0xc8: {  	_ =	sfence.sel $0x180000  }
0xc9: {  	[bflag:$0x0] =	sbarrier.arrive $0xFFFF  }
0xca: {  	p0 =	sne.s32 s1, $0x0;
	_ =	strace $0x9000004A  }
0xcb: {  	s0 =	sadd.s32 @!p0 $0x100000, s0;
	[bflag:$0x2] =	sbarrier.arrive $0xFFFF  }
0xcc: {  	[sflag:s0] =	ssyncadd.tile.s32 @!p0 $0x1;
	_ =	shalt  }
.Lfunc_end2:
_tile_overlayer_lowered:
.L_overlay_start_2:
0xcd: {  	(tag) =	ssettag $0x2  }
0xce: {  	s0 =	rddreg [dreg:$0x0];
	s2 =	stileid.u32  }
0xcf: {  	s1 =	rddreg [dreg:$0x1];
	p0 =	sne.s32 s2, $0x0  }
0xd0: {  	s3 =	rddreg [dreg:$0x2];
	[bflag:$0x3] =	sbarrier.arrive $0xFFFF;
	s2 =	simm.s32 @!p0 $0x1C02  }
0xd1: {  	[timem:s3], [sflag:s2] =	dma.local @!p0 [hbm:s0], s1  }
0xd2: {  	s0 =	simm.s32 @!p0 $0x2  }
0xd3: {  	_ =	swait.ge @!p0 [sflag:s0], s1  }
0xd4: {  	s1 =	ssub.s32 @!p0 $0x0, s1;
	[sflag:s0] =	ssyncset.done @!p0 $0x0  }
0xd5: {  	[sflag:s0] =	ssyncadd.s32 @!p0 s1  }
0xd6: {  	[bflag:$0x3] =	sbarrier.arrive $0xFFFF  }
0xd7: {  	_ =	shalt  }

// kernel: kernel.7.cloned.1.call-start
scs
__scs_entry_jumppad:
0x0: {  	(pc) =	sbr.rel $0x88, $3  }
0x1: {  	(tag) =	ssettag $0x0;
	lr =	simm.s32 $0x1  }
0x2: {  	[smem:$0x3F98] =	sst lr;
	_ =	strace $0xD0000000  }
0x3: {  	_ = 	snop  }
0x4: {  	_ = 	snop  }
0x5: {  	_ = 	snop  }
0x6: {  	_ = 	snop  }
0x7: {  	_ = 	snop  }
__scs_overlays_trampoline_lowered:
0x8: {  	[smem:$0x3FA7] =	sst s0  }
0x9: {  	[smem:$0x3FA8] =	sst s1  }
0xa: {  	[smem:$0x3FA9] =	sst s2  }
0xb: {  	[smem:$0x3FAA] =	sst s3  }
0xc: {  	[smem:$0x3FAB] =	sst s4  }
0xd: {  	[smem:$0x3FAC] =	sst s5  }
0xe: {  	[smem:$0x3FAD] =	sst s6  }
0xf: {  	[smem:$0x3FAE] =	sst s7  }
0x10: {  	[smem:$0x3FAF] =	sst s8  }
0x11: {  	[smem:$0x3FB0] =	sst s9;
	s0 =	simm.s32 @!p0 $0x0  }
0x12: {  	s1 =	sld [smem:$0x3F96];
	s0 =	simm.s32 @p0 $0x1  }
0x13: {  	[smem:$0x3FB1] =	sst s0;
	s0 =	simm.s32 @!p1 $0x0  }
0x14: {  	s2 =	sld [smem:$0x3F95];
	s0 =	simm.s32 @p1 $0x1  }
0x15: {  	[smem:$0x3FB2] =	sst s0;
	s0 =	simm.s32 @!p2 $0x0  }
0x16: {  	s3 =	sld [smem:$0x3FDB];
	s0 =	simm.s32 @p2 $0x1  }
0x17: {  	s4 =	simm.s32 $0x1BF5;
	[smem:$0x3FB4] =	sst s0  }
0x18: {  	s0 =	sld [smem:$0x3F97];
	_ =	swait.ge [sflag:s4], $0x0  }
0x19: {  	s7 =	sld [smem:$0x3F98]  }
0x1a: {  	s8 =	sadd.s32 $0xFFFFE003, lr  }
0x1b: {  	s9 =	sadd.s32 $0xFFFFFEF7, lr;
	s5 =	simm.s32 $0xFFFFFFFF;
	p2 =	slt.u32 s8, $0xFFFFF086  }
0x1c: {  	p1 =	slt.u32 s9, $0xF7A;
	s5 =	simm.s32 @!p2 $0x0  }
0x1d: {  	s5 =	simm.s32 @p1 $0x1;
	p0 =	seq.s32 s7, s2  }
0x1e: {  	s7 =	smul.u32 @!p0 $0xF7A, s2;
	p2 =	seq.s32 @!p0 s5, $0x0  }
0x1f: {  	s9 =	smul.u32 $0xF7A, s1;
	s8 =	simm.s32 @!p0 $0x1BF5;
	p2 =	por !p2, p0  }
0x20: {  	[sflag:s8] =	ssyncset.s32 @!p0 $0xFFFFF086;
	s6 =	sadd.s32 @!p0 s3, s7;
	s7 =	simm.s32 @!p0 $0x108  }
0x21: {  	s3 =	sadd.s32 s3, s9;
	s6 =	sadd.s32 @!p0 $0x88, s6;
	s7 =	simm.s32 @p2 $0x1082  }
0x22: {  	[simem:s7], [sflag:s8] =	dma.local @!p0 [hbm:s6], $0xF7A  }
0x23: {  	s9 =	sor.u32 $0xD0000000, s2;
	s6 =	simm.s32 $0x108;
	_ =	swait.ge @!p0 [sflag:s8], $0x0  }
0x24: {  	s3 =	sadd.s32 $0x88, s3;
	s6 =	simm.s32 @!p1 $0x1082;
	[sflag:s4] =	ssyncset.s32 $0xFFFFF086  }
0x25: {  	[simem:s6], [sflag:s4] =	dma.local [hbm:s3], $0xF7A  }
0x26: {  	[smem:$0x3F98] =	sst s1;
	(tag) =	ssettag s2;
	_ =	strace s9  }
0x27: {  	s1 =	sld [smem:$0x3FA8]  }
0x28: {  	s2 =	sld [smem:$0x3FA9]  }
0x29: {  	s4 =	sld [smem:$0x3FAB]  }
0x2a: {  	p0 =	seq.s32 s5, $0x0;
	s5 =	sld [smem:$0x3FAC]  }
0x2b: {  	s6 =	sld [smem:$0x3FAD]  }
0x2c: {  	s7 =	sld [smem:$0x3FAE]  }
0x2d: {  	s3 =	simm.s32 $0x108;
	s8 =	sld [smem:$0x3FAF]  }
0x2e: {  	s3 =	simm.s32 @!p0 $0x1082;
	s9 =	sld [smem:$0x3FB0]  }
0x2f: {  	lr =	sadd.s32 s0, s3;
	s0 =	sld [smem:$0x3FA7]  }
0x30: {  	s3 =	sld [smem:$0x3FAA]  }
0x31: {  	[smem:$0x3FB3] =	sst s10  }
0x32: {  	s10 =	sld [smem:$0x3FB1];
	_ =	sdelay $0x3  }
0x33: {  	p0 =	seq.s32 s10, $0x1;
	s10 =	sld [smem:$0x3FB3];
	_ =	sdelay $0x3  }
0x34: {  	[smem:$0x3FB3] =	sst s10  }
0x35: {  	s10 =	sld [smem:$0x3FB2];
	_ =	sdelay $0x3  }
0x36: {  	p1 =	seq.s32 s10, $0x1;
	s10 =	sld [smem:$0x3FB3];
	_ =	sdelay $0x3  }
0x37: {  	[smem:$0x3FB3] =	sst s10  }
0x38: {  	s10 =	sld [smem:$0x3FB4]  }
0x39: {  	_ = 	snop;
	(pc) =	sbr.ind lr, $3  }
0x3a: {  	_ = 	snop  }
0x3b: {  	_ = 	snop  }
0x3c: {  	p2 =	seq.s32 s10, $0x1;
	s10 =	sld [smem:$0x3FB3]  }
0x3d: {  	_ =	shalt  }
0x3e: {  	_ =	shalt  }
0x3f: {  	_ =	shalt  }
0x40: {  	_ =	shalt  }
0x41: {  	_ =	shalt  }
0x42: {  	_ =	shalt  }
0x43: {  	_ =	shalt  }
0x44: {  	_ =	shalt  }
0x45: {  	_ =	shalt  }
0x46: {  	_ =	shalt  }
0x47: {  	_ =	shalt  }
0x48: {  	_ =	shalt  }
0x49: {  	_ =	shalt  }
0x4a: {  	_ =	shalt  }
0x4b: {  	_ =	shalt  }
0x4c: {  	_ =	shalt  }
0x4d: {  	_ =	shalt  }
0x4e: {  	_ =	shalt  }
0x4f: {  	_ =	shalt  }
0x50: {  	_ =	shalt  }
0x51: {  	_ =	shalt  }
0x52: {  	_ =	shalt  }
0x53: {  	_ =	shalt  }
0x54: {  	_ =	shalt  }
0x55: {  	_ =	shalt  }
0x56: {  	_ =	shalt  }
0x57: {  	_ =	shalt  }
0x58: {  	_ =	shalt  }
0x59: {  	_ =	shalt  }
0x5a: {  	_ =	shalt  }
0x5b: {  	_ =	shalt  }
0x5c: {  	_ =	shalt  }
0x5d: {  	_ =	shalt  }
0x5e: {  	_ =	shalt  }
0x5f: {  	_ =	shalt  }
0x60: {  	_ =	shalt  }
0x61: {  	_ =	shalt  }
0x62: {  	_ =	shalt  }
0x63: {  	_ =	shalt  }
0x64: {  	_ =	shalt  }
0x65: {  	_ =	shalt  }
0x66: {  	_ =	shalt  }
0x67: {  	_ =	shalt  }
0x68: {  	_ =	shalt  }
0x69: {  	_ =	shalt  }
0x6a: {  	_ =	shalt  }
0x6b: {  	_ =	shalt  }
0x6c: {  	_ =	shalt  }
0x6d: {  	_ =	shalt  }
0x6e: {  	_ =	shalt  }
0x6f: {  	_ =	shalt  }
0x70: {  	_ =	shalt  }
0x71: {  	_ =	shalt  }
0x72: {  	_ =	shalt  }
0x73: {  	_ =	shalt  }
0x74: {  	_ =	shalt  }
0x75: {  	_ =	shalt  }
0x76: {  	_ =	shalt  }
0x77: {  	_ =	shalt  }
0x78: {  	_ =	shalt  }
0x79: {  	_ =	shalt  }
0x7a: {  	_ =	shalt  }
0x7b: {  	_ =	shalt  }
0x7c: {  	_ =	shalt  }
0x7d: {  	_ =	shalt  }
0x7e: {  	_ =	shalt  }
0x7f: {  	_ =	shalt  }
0x80: {  	_ =	shalt  }
0x81: {  	_ =	shalt  }
0x82: {  	_ =	shalt  }
0x83: {  	_ =	shalt  }
0x84: {  	_ =	shalt  }
0x85: {  	_ =	shalt  }
0x86: {  	_ =	shalt  }
0x87: {  	_ =	shalt  }
.Lfunc_end0:
.L_simem_size_0:
called_computation_lowered:
.L_overlay_start_0:
0x88: {  	s2 =	sld [smem:$0x3FD9]  }
0x89: {  	s3 =	sld [smem:$0x3FFE];
	_ =	sdelay $0x1  }
0x8a: {  	s1 =	srdreg.scid  }
0x8b: {  	s0 =	sand.u32 $0x1, s1  }
0x8c: {  	s17 =	sshll.u32 s0, $0xA;
	s2 =	sadd.s32 s3, s2  }
0x8d: {  	s2 =	sadd.s32 s2, s17  }
0x8e: {  	[smem:$0x3FBF] =	sst s2  }
0x8f: {  	_ = 	snop  }
0x90: {  	s2 =	sld [smem:$0x3FD0];
	(tm) =	ssettm $0x1  }
0x91: {  	s18 =	sld [smem:$0x3FFB];
	_ =	sdelay $0x3  }
0x92: {  	_ =	strace s18  }
0x93: {  	s3 =	sld [smem:$0x3FFC];
	_ =	sdelay $0x3  }
0x94: {  	_ =	strace s3  }
0x95: {  	s3 =	sld [smem:$0x3FFD];
	_ =	sdelay $0x3  }
0x96: {  	_ =	strace s3  }
0x97: {  	_ =	strace $0x8FFFFFFF  }
0x98: {  	s19 =	sld [smem:$0x3FDB];
	_ =	sdelay $0x1  }
0x99: {  	s4 =	simm.s32 $_scs_section_size  }
0x9a: {  	s5 =	simm.s32 $_size__tile_overlayer_lowered;
	s6 =	simm.s32 $_tile_overlayer_lowered  }
0x9b: {  	s22 =	simm.s32 $0x1BFF;
	s21 =	sshll.u32 s6, $0x1;
	s3 =	sadd.s32 s4, s19  }
0x9c: {  	s7 =	simm.s32 $0x0;
	s20 =	sshll.u32 s5, $0x1;
	s5 =	sadd.s32 s21, s3  }
0x9d: {  	[timem:s7], [sflag:s22] =	dma.local [hbm:s5], s20  }
0x9e: {  	_ =	swait.ge [sflag:s22], s20  }
0x9f: {  	s4 =	ssub.s32 $0x0, s20;
	[sflag:s22] =	ssyncset.done $0x0  }
0xa0: {  	[sflag:s22] =	ssyncadd.s32 s4;
	_ =	sdelay $0x1  }
0xa1: {  	s23 =	simm.s32 $0x1B8B  }
0xa2: {  	_ =	swait.ge [sflag:s23], $0x1  }
0xa3: {  	[sflag:s23] =	ssyncset.done $0x0  }
0xa4: {  	s25 =	simm.s32 $0x1B8E;
	s24 =	sld [smem:$0x3FFE];
	[sflag:s23] =	ssyncadd.s32 $0xFFFFFFFF  }
0xa5: {  	s26 =	simm.s32 $execute0_lowered;
	[smem:$0x3FD2] =	sst s25  }
0xa6: {  	s5 =	sshll.u32 s26, $0x1;
	_ =	strace $0x80000046;
	[dreg:$0x1] =	wrdreg $0xFFFFFFFF  }
0xa7: {  	s28 =	simm.s32 $_size_execute0_lowered;
	s3 =	sadd.s32 s3, s5;
	[dreg:$0x0] =	wrdreg $0x0  }
0xa8: {  	s5 =	sshll.u32 s28, $0x1;
	[dreg:$0x2] =	wrdreg s3  }
0xa9: {  	[dreg:$0x3] =	wrdreg s5  }
0xaa: {  	[dreg:$0x4] =	wrdreg $0xC0  }
0xab: {  	_ =	task [dreg:s7], $0x5FFFF  }
0xac: {  	[dreg:$0x1] =	wrdreg $0xFFFFFFFF  }
0xad: {  	[dreg:$0x0] =	wrdreg $0x60  }
0xae: {  	[dreg:$0x2] =	wrdreg s24  }
0xaf: {  	[dreg:$0x3] =	wrdreg s2  }
0xb0: {  	[dreg:$0x4] =	wrdreg $0x0  }
0xb1: {  	[dreg:$0x5] =	wrdreg $0x9  }
0xb2: {  	_ =	task.clear_ibuf [dreg:s7], $0x6FFFF;
	_ =	strace $0x90000046  }
0xb3: {  	s29 =	simm.s32 $0x9;
	_ =	strace $0x80000048  }
0xb4: {  	_ =	swait.ge [sflag:s29], $0x1  }
0xb5: {  	[sflag:s29] =	ssyncadd.s32 $0xFFFFFFFF  }
0xb6: {  	_ =	strace $0x90000048  }
0xb7: {  	_ =	sfence  }
0xb8: {  	s30 =	sld [smem:$0x0];
	_ =	sdelay $0x2  }
0xb9: {  	s31 =	sshll.u32 s1, $0xD;
	s1 =	sshrl.u32 s1, $0x2  }
0xba: {  	s3 =	sand.u32 $0x4000, s31;
	s1 =	sadd.s32 s1, s30  }
0xbb: {  	s0 =	sor.u32 s3, s0;
	s1 =	sshll.u32 s1, $0x11  }
0xbc: {  	s0 =	sor.u32 s1, s0  }
0xbd: {  	s0 =	sadd.s32 $0x8F2B, s0  }
0xbe: {  	[sflag:s0] =	ssyncadd.remote.s32 $0x1  }
0xbf: {  	_ =	sfence.sel $0xFFFF  }
0xc0: {  	[dreg:$0x0] =	wrdreg $0xFFFFFFFF;
	(pc) =	sbr.abs _section_cstart, $3  }
0xc1: {  	[dreg:$0x1] =	wrdreg $0xFFFFFFFF  }
0xc2: {  	_ =	task.clear_ibuf [dreg:s7], $0x2FFFF;
	_ =	strace $0x9FFFFFFF  }
0xc3: {  	(tm) =	ssettm $0x7FFFFFFF  }
tec
execute0_lowered:
.L_overlay_start_1:
0x0: {  	(tag) =	ssettag $0x1  }
0x1: {  	s5 =	rddreg [dreg:$0x0]  }
0x2: {  	s6 =	rddreg [dreg:$0x1]  }
0x3: {  	s2 =	rddreg [dreg:$0x2];
	s1 =	srdreg.scid  }
0x4: {  	s0 =	rddreg [dreg:$0x3];
	s3 =	simm.s32 $0x0;
	s13 =	simm.s32 $0x14000  }
0x5: {  	s14 =	simm.s32 $0x2;
	s15 =	simm.s32 $0x16980;
	s16 =	simm.s32 $0x80  }
0x6: {  	s17 =	simm.s32 $0x16780;
	s18 =	simm.s32 $0x16880;
	s19 =	simm.s32 $0x1A980  }
0x7: {  	s20 =	simm.s32 $0x1;
	s21 =	simm.s32 $0x16800;
	s4 =	sand.u32 $0x1, s1  }
0x8: {  	s22 =	simm.s32 $0x16900;
	s1 =	stileid.u32;
	s7 =	smul.u32 $0x140000, s4  }
0x9: {  	s25 =	simm.s32 $0x0;
	[smem:$0x7FF] =	sst s3;
	s8 =	smul.u32 $0x14000, s1  }
0xa: {  	s9 =	sshll.u32 s4, $0x4;
	_ =	strace $0x80000047;
	s29 =	ssub.s32 $0x2, s4  }
0xb: {  	s10 =	smul.u32 $0x50000, s1;
	s4 =	sadd.s32 $0x1800, s5;
	s23 =	sshll.u32 s1, $0x6  }
0xc: {  	s9 =	sor.u32 s1, s9;
	s30 =	sshrl.u32 s29, $0x1;
	s23 =	sor.u32 $0x1C02, s23  }
0xd: {  	s7 =	sadd.s32 s8, s7;
	s28 =	smul.u32 $0x500, s9;
	s9 =	ssub.s32 s29, s30  }
0xe: {  	s31 =	sshrl.u32 s10, $0x2;
	s7 =	sshrl.u32 s7, $0x3;
	s8 =	smax.u32 s9, $0x1  }
0xf: {  	s7 =	sadd.s32 s7, s5;
	s5 =	sadd.s32 s6, s28;
	s6 =	sadd.s32 s31, s2  }
0x10: {  	s7 =	sadd.s32 $0x161200, s7;
	s9 =	sadd.s32 $0x4000, s6;
	s10 =	sadd.s32 $0x8000, s6  }
0x11: {  	v0 =	vimm.f32 $0.0e+00;
	s11 =	sadd.s32 $0xC000, s6;
	s12 =	sadd.s32 $0x10000, s6;
	s24 =	sshrl.u32 s6, $0x3  }
.LBB2_1:
0x12: {  	[tilespmem:s13], [sflag:$0x2] =	stream.linear.gather [hbm4b:s5+s3], $0x2780, $0x38;
	[tilespmem:$0x1E980] =	vst v63  }
0x13: {  	_ =	swait.ge [sflag:s14], $0x2780  }
0x14: {  	[sflag:s14] =	ssyncset.done $0x0  }
0x15: {  	s26 =	simm.s32 $0x0;
	s28 =	simm.s32 $0x200;
	[sflag:s14] =	ssyncadd.s32 $0xFFFFD880  }
.LBB2_2:
0x16: {  	p0 =	sne.s32 s28, $0xFE00;
	[tilespmem:s26+$0x169F0] =	vst v0  }
0x17: {  	[tilespmem:s26+$0x16980] =	vst v0  }
0x18: {  	[tilespmem:s26+$0x16990] =	vst v0  }
.Ltmp0:
0x19: {  	[tilespmem:s26+$0x169A0] =	vst v0;
	(pc) =	sbr.rel @p0 .LBB2_2-.Ltmp0, $4  }
0x1a: {  	[tilespmem:s26+$0x169B0] =	vst v0  }
0x1b: {  	[tilespmem:s26+$0x169C0] =	vst v0  }
0x1c: {  	[tilespmem:s26+$0x169D0] =	vst v0  }
0x1d: {  	[tilespmem:s26+$0x169E0] =	vst v0;
	s26 =	sshra.s32 s28, $0x2;
	s28 =	sadd.s32 $0x200, s28  }
0x1e: {  	[tilespmem:s26+$0x169F0] =	vst v0  }
0x1f: {  	[tilespmem:s26+$0x16980] =	vst v0  }
0x20: {  	[tilespmem:s26+$0x16990] =	vst v0  }
0x21: {  	[tilespmem:s26+$0x169A0] =	vst v0  }
0x22: {  	[tilespmem:s26+$0x169B0] =	vst v0  }
0x23: {  	[tilespmem:s26+$0x169C0] =	vst v0  }
0x24: {  	[tilespmem:s26+$0x169D0] =	vst v0  }
0x25: {  	[tilespmem:s26+$0x169E0] =	vst v0  }
0x26: {  	[spmem:s6] =	stream.linear.scatter [tilespmem:s15], [sflag:$0x2], $0x4000, $0x38;
	[tilespmem:$0x1E980] =	vst v63  }
0x27: {  	_ =	swait.ge [sflag:s14], $0x4000  }
0x28: {  	[sflag:s14] =	ssyncset.done $0x0  }
0x29: {  	[sflag:s14] =	ssyncadd.s32 $0xFFFFC000  }
0x2a: {  	[spmem:s9] =	stream.linear.scatter [tilespmem:s15], [sflag:$0x2], $0x4000, $0x38;
	[tilespmem:$0x1E980] =	vst v63  }
0x2b: {  	_ =	swait.ge [sflag:s14], $0x4000  }
0x2c: {  	[sflag:s14] =	ssyncset.done $0x0  }
0x2d: {  	[sflag:s14] =	ssyncadd.s32 $0xFFFFC000  }
0x2e: {  	[spmem:s10] =	stream.linear.scatter [tilespmem:s15], [sflag:$0x2], $0x4000, $0x38;
	[tilespmem:$0x1E980] =	vst v63  }
0x2f: {  	_ =	swait.ge [sflag:s14], $0x4000  }
0x30: {  	[sflag:s14] =	ssyncset.done $0x0  }
0x31: {  	[sflag:s14] =	ssyncadd.s32 $0xFFFFC000  }
0x32: {  	[spmem:s11] =	stream.linear.scatter [tilespmem:s15], [sflag:$0x2], $0x4000, $0x38;
	[tilespmem:$0x1E980] =	vst v63  }
0x33: {  	_ =	swait.ge [sflag:s14], $0x4000  }
0x34: {  	[sflag:s14] =	ssyncset.done $0x0  }
0x35: {  	[sflag:s14] =	ssyncadd.s32 $0xFFFFC000  }
0x36: {  	[spmem:s12] =	stream.linear.scatter [tilespmem:s15], [sflag:$0x2], $0x4000, $0x38;
	[tilespmem:$0x1E980] =	vst v63  }
0x37: {  	_ =	swait.ge [sflag:s14], $0x4000  }
0x38: {  	[sflag:s14] =	ssyncset.done $0x0  }
0x39: {  	[sflag:s14] =	ssyncadd.s32 $0xFFFFC000  }
0x3a: {  	s26 =	simm.s32 $0x0;
	[bflag:$0x0] =	sbarrier.arrive $0xFFFF  }
0x3b: {  	v1 =	vld [tilespmem:s26+$0x140F0];
	_ =	sdelay $0x1  }
0x3c: {  	v2 =	vld [tilespmem:s26+$0x140E0]  }
0x3d: {  	v3 =	vld [tilespmem:s26+$0x14060];
	_ =	sdelay $0x1  }
0x3e: {  	v4 =	vshrl.u32 v1, $0xE  }
0x3f: {  	v5 =	vld [tilespmem:s26+$0x14050];
	v1 =	vand.u32 $0x3FFF, v1;
	[tilespmem:$0x168F0] =	vst v4  }
0x40: {  	v6 =	vshrl.u32 v2, $0xE;
	v4 =	vld [tilespmem:s26+$0x14000];
	[tilespmem:$0x16970] =	vst v1  }
0x41: {  	v7 =	vand.u32 $0x3FFF, v3;
	v1 =	vld [tilespmem:s26+$0x14010];
	[tilespmem:$0x168E0] =	vst v6  }
0x42: {  	v3 =	vshrl.u32 v3, $0xE;
	[tilespmem:$0x16860] =	vst v7  }
0x43: {  	v2 =	vand.u32 $0x3FFF, v2;
	[tilespmem:$0x167E0] =	vst v3  }
0x44: {  	v3 =	vand.u32 $0x3FFF, v5;
	v6 =	vld [tilespmem:s26+$0x14090];
	[tilespmem:$0x16960] =	vst v2  }
0x45: {  	[tilespmem:$0x16850] =	vst v3;
	v3 =	vld [tilespmem:s26+$0x14040];
	v2 =	vand.u32 $0x3FFF, v4  }
0x46: {  	v7 =	vand.u32 $0x3FFF, v1;
	[tilespmem:$0x16800] =	vst v2  }
0x47: {  	v8 =	vld [tilespmem:s26+$0x14030];
	v1 =	vshrl.u32 v1, $0xE;
	[tilespmem:$0x16810] =	vst v7  }
0x48: {  	v2 =	vshrl.u32 v4, $0xE;
	v4 =	vld [tilespmem:s26+$0x14080];
	[tilespmem:$0x16790] =	vst v1  }
0x49: {  	v1 =	vld [tilespmem:s26+$0x14070];
	v7 =	vand.u32 $0x3FFF, v6;
	[tilespmem:$0x16780] =	vst v2  }
0x4a: {  	v10 =	vld [tilespmem:s26+$0x14020];
	v11 =	vshrl.u32 v3, $0xE;
	[tilespmem:$0x16910] =	vst v7  }
0x4b: {  	v2 =	vshrl.u32 v5, $0xE;
	[tilespmem:$0x167C0] =	vst v11  }
0x4c: {  	v5 =	vshrl.u32 v6, $0xE;
	[tilespmem:$0x167D0] =	vst v2  }
0x4d: {  	v9 =	vld [tilespmem:s26+$0x140B0];
	v6 =	vand.u32 $0x3FFF, v3;
	v3 =	vand.u32 $0x3FFF, v8;
	[tilespmem:$0x16890] =	vst v5;
	v2 =	vshrl.u32 v8, $0xE  }
0x4e: {  	[tilespmem:$0x16840] =	vst v6;
	v6 =	vld [tilespmem:s26+$0x140A0];
	v5 =	vand.u32 $0x3FFF, v4;
	v8 =	vshrl.u32 v4, $0xE;
	v7 =	vshrl.u32 v1, $0xE  }
0x4f: {  	s28 =	simm.s32 $0x400;
	v4 =	vand.u32 $0x3FFF, v10;
	[tilespmem:$0x16900] =	vst v5;
	v5 =	vand.u32 $0x3FFF, v1;
	v1 =	vshrl.u32 v10, $0xE  }
.LBB2_4:
0x50: {  	p0 =	sne.s32 s28, $0x9800;
	[tilespmem:$0x16880] =	vst v8;
	s29 =	smov.u32 s28;
	s28 =	sadd.s32 $0x400, s28  }
0x51: {  	[tilespmem:$0x16830] =	vst v3  }
0x52: {  	[tilespmem:$0x167F0] =	vst v7;
	v3 =	vshrl.u32 v9, $0xE;
	v7 =	vand.u32 $0x3FFF, v9;
	v8 =	vld [tilespmem:s26+$0x140C0]  }
0x53: {  	[tilespmem:$0x167B0] =	vst v2;
	v2 =	vshrl.u32 v6, $0xE;
	v6 =	vand.u32 $0x3FFF, v6  }
0x54: {  	[tilespmem:$0x16930] =	vst v7;
	v7 =	vld [tilespmem:s26+$0x140D0]  }
0x55: {  	[tilespmem:$0x16870] =	vst v5  }
0x56: {  	[tilespmem:$0x168B0] =	vst v3  }
0x57: {  	[tilespmem:$0x16820] =	vst v4;
	v3 =	vshrl.u32 v8, $0xE;
	v4 =	vand.u32 $0x3FFF, v8  }
0x58: {  	[tilespmem:$0x168A0] =	vst v2  }
0x59: {  	[tilespmem:$0x16940] =	vst v4;
	v2 =	vshrl.u32 v7, $0xE;
	v4 =	vand.u32 $0x3FFF, v7  }
0x5a: {  	[tilespmem:$0x167A0] =	vst v1  }
0x5b: {  	[tilespmem:$0x16950] =	vst v4  }
0x5c: {  	[tilespmem:$0x168C0] =	vst v3  }
0x5d: {  	[tilespmem:$0x16920] =	vst v6  }
0x5e: {  	[tilespmem:$0x168D0] =	vst v2  }
0x5f: {  	[tilespmem:s15], [sflag:$0x1] =	stream.indirect.gather [hbm4b:s4+s16], $0x80, s17, s16, $0xb8;
	[tilespmem:$0x1E980] =	vst v63  }
0x60: {  	_ = 	snop  }
0x61: {  	[tilespmem:s19], [sflag:$0x1] =	stream.indirect.gather [hbm4b:s4+s16], $0x80, s18, s16, $0xb8;
	[tilespmem:$0x1E980] =	vst v63  }
0x62: {  	_ =	swait.ge [sflag:s20], $0x4000  }
0x63: {  	[sflag:s20] =	ssyncset.done $0x0  }
0x64: {  	[sflag:s20] =	ssyncadd.s32 $0xFFFFC000  }
0x65: {  	_ =	swait.ge [sflag:s20], $0x4000  }
0x66: {  	[sflag:s20] =	ssyncset.done $0x0  }
0x67: {  	[sflag:s20] =	ssyncadd.s32 $0xFFFFC000  }
0x68: {  	[spmem:s2] =	stream.indirect.scatter.add.f32 [tilespmem:s15], [sflag:$0x2], $0x80, s21, s16, $0xb8;
	[tilespmem:$0x1E980] =	vst v63  }
0x69: {  	_ =	swait.ge [sflag:s14], $0x4000  }
0x6a: {  	[sflag:s14] =	ssyncset.done $0x0  }
0x6b: {  	[sflag:s14] =	ssyncadd.s32 $0xFFFFC000  }
0x6c: {  	[spmem:s2] =	stream.indirect.scatter.add.f32 [tilespmem:s19], [sflag:$0x2], $0x80, s22, s16, $0xb8;
	[tilespmem:$0x1E980] =	vst v63  }
0x6d: {  	_ =	swait.ge [sflag:s14], $0x4000  }
0x6e: {  	[sflag:s14] =	ssyncset.done $0x0  }
0x6f: {  	s26 =	sshra.s32 s29, $0x2;
	[sflag:s14] =	ssyncadd.s32 $0xFFFFC000  }
0x70: {  	v1 =	vld [tilespmem:s26+$0x140F0]  }
0x71: {  	v2 =	vld [tilespmem:s26+$0x140E0]  }
0x72: {  	v3 =	vld [tilespmem:s26+$0x14060]  }
0x73: {  	v4 =	vld [tilespmem:s26+$0x14010]  }
0x74: {  	v5 =	vld [tilespmem:s26+$0x14000]  }
0x75: {  	v6 =	vld [tilespmem:s26+$0x14050];
	v7 =	vshrl.u32 v1, $0xE;
	v1 =	vand.u32 $0x3FFF, v1  }
0x76: {  	v8 =	vld [tilespmem:s26+$0x14040];
	v9 =	vshrl.u32 v2, $0xE;
	v2 =	vand.u32 $0x3FFF, v2;
	[tilespmem:$0x168F0] =	vst v7  }
0x77: {  	v7 =	vld [tilespmem:s26+$0x14030];
	v10 =	vshrl.u32 v3, $0xE;
	v3 =	vand.u32 $0x3FFF, v3;
	[tilespmem:$0x16970] =	vst v1  }
0x78: {  	v1 =	vshrl.u32 v4, $0xE;
	v4 =	vand.u32 $0x3FFF, v4;
	[tilespmem:$0x168E0] =	vst v9  }
0x79: {  	v9 =	vshrl.u32 v5, $0xE;
	v5 =	vand.u32 $0x3FFF, v5;
	[tilespmem:$0x16860] =	vst v3  }
0x7a: {  	v11 =	vshrl.u32 v6, $0xE;
	v6 =	vand.u32 $0x3FFF, v6;
	[tilespmem:$0x167E0] =	vst v10;
	v10 =	vld [tilespmem:s26+$0x14090]  }
0x7b: {  	v12 =	vshrl.u32 v8, $0xE;
	v13 =	vand.u32 $0x3FFF, v8;
	v14 =	vld [tilespmem:s26+$0x14080];
	[tilespmem:$0x16960] =	vst v2  }
0x7c: {  	v2 =	vshrl.u32 v7, $0xE;
	v3 =	vand.u32 $0x3FFF, v7;
	[tilespmem:$0x16850] =	vst v6;
	v6 =	vld [tilespmem:s26+$0x14070]  }
0x7d: {  	[tilespmem:$0x16800] =	vst v5;
	v15 =	vld [tilespmem:s26+$0x14020]  }
0x7e: {  	[tilespmem:$0x16810] =	vst v4  }
0x7f: {  	[tilespmem:$0x16790] =	vst v1;
	v16 =	vshrl.u32 v10, $0xE;
	v1 =	vand.u32 $0x3FFF, v10  }
0x80: {  	[tilespmem:$0x16780] =	vst v9;
	v8 =	vshrl.u32 v14, $0xE;
	v10 =	vand.u32 $0x3FFF, v14  }
0x81: {  	v7 =	vshrl.u32 v6, $0xE;
	v5 =	vand.u32 $0x3FFF, v6;
	[tilespmem:$0x16910] =	vst v1  }
.Ltmp1:
0x82: {  	v1 =	vshrl.u32 v15, $0xE;
	v4 =	vand.u32 $0x3FFF, v15;
	[tilespmem:$0x167D0] =	vst v11;
	(pc) =	sbr.rel @p0 .LBB2_4-.Ltmp1, $4  }
0x83: {  	[tilespmem:$0x16890] =	vst v16  }
0x84: {  	[tilespmem:$0x16840] =	vst v13;
	v9 =	vld [tilespmem:s26+$0x140B0]  }
0x85: {  	[tilespmem:$0x16900] =	vst v10;
	v6 =	vld [tilespmem:s26+$0x140A0]  }
0x86: {  	[tilespmem:$0x167C0] =	vst v12  }
0x87: {  	[tilespmem:$0x16880] =	vst v8  }
0x88: {  	[tilespmem:$0x16830] =	vst v3  }
0x89: {  	[tilespmem:$0x167F0] =	vst v7  }
0x8a: {  	[tilespmem:$0x167B0] =	vst v2  }
0x8b: {  	v59 =	vld [tilespmem:s26+$0x140C0];
	[tilespmem:$0x16870] =	vst v5  }
0x8c: {  	[tilespmem:$0x16820] =	vst v4;
	v3 =	vand.u32 $0x3FFF, v9  }
0x8d: {  	[tilespmem:$0x16930] =	vst v3;
	v3 =	vld [tilespmem:s26+$0x140D0]  }
0x8e: {  	[tilespmem:$0x167A0] =	vst v1;
	v2 =	vshrl.u32 v9, $0xE  }
0x8f: {  	[tilespmem:$0x168B0] =	vst v2;
	v2 =	vshrl.u32 v6, $0xE  }
0x90: {  	[tilespmem:$0x168A0] =	vst v2;
	v60 =	vand.u32 $0x3FFF, v59  }
0x91: {  	v1 =	vshrl.u32 v59, $0xE;
	[tilespmem:$0x16940] =	vst v60  }
0x92: {  	[tilespmem:$0x168C0] =	vst v1;
	v2 =	vand.u32 $0x3FFF, v3  }
0x93: {  	v1 =	vshrl.u32 v3, $0xE;
	[tilespmem:$0x16950] =	vst v2  }
0x94: {  	v2 =	vand.u32 $0x3FFF, v6;
	[tilespmem:$0x168D0] =	vst v1  }
0x95: {  	[tilespmem:$0x16920] =	vst v2  }
0x96: {  	[tilespmem:s15], [sflag:$0x1] =	stream.indirect.gather [hbm4b:s4+s16], $0x80, s17, s16, $0xb8;
	[tilespmem:$0x1E980] =	vst v63  }
0x97: {  	_ = 	snop  }
0x98: {  	[tilespmem:s19], [sflag:$0x1] =	stream.indirect.gather [hbm4b:s4+s16], $0x80, s18, s16, $0xb8;
	[tilespmem:$0x1E980] =	vst v63  }
0x99: {  	_ =	swait.ge [sflag:s20], $0x4000  }
0x9a: {  	[sflag:s20] =	ssyncset.done $0x0  }
0x9b: {  	[sflag:s20] =	ssyncadd.s32 $0xFFFFC000  }
0x9c: {  	_ =	swait.ge [sflag:s20], $0x4000  }
0x9d: {  	[sflag:s20] =	ssyncset.done $0x0  }
0x9e: {  	[sflag:s20] =	ssyncadd.s32 $0xFFFFC000  }
0x9f: {  	[spmem:s2] =	stream.indirect.scatter.add.f32 [tilespmem:s15], [sflag:$0x2], $0x80, s21, s16, $0xb8;
	[tilespmem:$0x1E980] =	vst v63  }
0xa0: {  	_ =	swait.ge [sflag:s14], $0x4000  }
0xa1: {  	[sflag:s14] =	ssyncset.done $0x0  }
0xa2: {  	[sflag:s14] =	ssyncadd.s32 $0xFFFFC000  }
0xa3: {  	[spmem:s2] =	stream.indirect.scatter.add.f32 [tilespmem:s19], [sflag:$0x2], $0x80, s22, s16, $0xb8;
	[tilespmem:$0x1E980] =	vst v63  }
0xa4: {  	_ =	swait.ge [sflag:s14], $0x4000  }
0xa5: {  	[sflag:s14] =	ssyncset.done $0x0  }
0xa6: {  	[sflag:s14] =	ssyncadd.s32 $0xFFFFC000  }
0xa7: {  	v1 =	vld [tilespmem:$0x16700];
	_ =	sdelay $0x1  }
0xa8: {  	v2 =	vld [tilespmem:$0x16710];
	_ =	sdelay $0x1  }
0xa9: {  	v3 =	vld [tilespmem:$0x16720]  }
0xaa: {  	v61 =	vshrl.u32 v1, $0xE  }
0xab: {  	v62 =	vld [tilespmem:$0x16730];
	v1 =	vand.u32 $0x3FFF, v1;
	[tilespmem:$0x16780] =	vst v61  }
0xac: {  	[tilespmem:$0x16800] =	vst v1;
	v1 =	vshrl.u32 v2, $0xE  }
0xad: {  	[tilespmem:$0x16790] =	vst v1;
	v1 =	vand.u32 $0x3FFF, v2;
	v2 =	vld [tilespmem:$0x16740]  }
0xae: {  	[tilespmem:$0x16810] =	vst v1;
	v1 =	vshrl.u32 v3, $0xE  }
0xaf: {  	[tilespmem:$0x167A0] =	vst v1;
	v1 =	vand.u32 $0x3FFF, v3;
	v3 =	vld [tilespmem:$0x16750]  }
0xb0: {  	[tilespmem:$0x16820] =	vst v1;
	v1 =	vshrl.u32 v62, $0xE  }
0xb1: {  	v63 =	vld [tilespmem:$0x16760];
	[tilespmem:$0x167B0] =	vst v1;
	v1 =	vand.u32 $0x3FFF, v62  }
0xb2: {  	[tilespmem:$0x16830] =	vst v1;
	v1 =	vshrl.u32 v2, $0xE  }
0xb3: {  	[tilespmem:$0x167C0] =	vst v1;
	v1 =	vand.u32 $0x3FFF, v2;
	v2 =	vld [tilespmem:$0x16770]  }
0xb4: {  	[tilespmem:$0x16840] =	vst v1;
	v1 =	vshrl.u32 v3, $0xE  }
0xb5: {  	[tilespmem:$0x167D0] =	vst v1;
	v1 =	vand.u32 $0x3FFF, v3  }
0xb6: {  	[tilespmem:$0x16850] =	vst v1;
	v1 =	vshrl.u32 v63, $0xE  }
0xb7: {  	[tilespmem:$0x167E0] =	vst v1;
	v1 =	vand.u32 $0x3FFF, v63  }
0xb8: {  	[tilespmem:$0x16860] =	vst v1;
	v1 =	vshrl.u32 v2, $0xE  }
0xb9: {  	[tilespmem:$0x167F0] =	vst v1;
	v1 =	vand.u32 $0x3FFF, v2  }
0xba: {  	[tilespmem:$0x16870] =	vst v1  }
0xbb: {  	[tilespmem:s15], [sflag:$0x1] =	stream.indirect.gather [hbm4b:s4+s16], $0x80, s17, s16, $0xb8;
	[tilespmem:$0x1E980] =	vst v63  }
0xbc: {  	_ =	swait.ge [sflag:s20], $0x4000  }
0xbd: {  	[sflag:s20] =	ssyncset.done $0x0  }
0xbe: {  	[sflag:s20] =	ssyncadd.s32 $0xFFFFC000  }
0xbf: {  	[spmem:s2] =	stream.indirect.scatter.add.f32 [tilespmem:s15], [sflag:$0x2], $0x80, s21, s16, $0xb8;
	[tilespmem:$0x1E980] =	vst v63  }
0xc0: {  	_ =	swait.ge [sflag:s14], $0x4000  }
0xc1: {  	s25 =	sadd.s32 $0x1, s25;
	[sflag:s14] =	ssyncset.done $0x0  }
0xc2: {  	p0 =	sne.s32 s25, s8;
	[sflag:s14] =	ssyncadd.s32 $0xFFFFC000  }
.Ltmp2:
0xc3: {  	[bflag:$0x0] =	sbarrier.arrive $0xFFFF;
	(pc) =	sbr.rel @p0 .LBB2_1-.Ltmp2, $4  }
0xc4: {  	[hbm:s7], [sflag:s23] =	dma.local [spmem:s24], $0x2800  }
0xc5: {  	_ =	swait.ge [sflag:s14], $0x2800  }
0xc6: {  	[sflag:s14] =	ssyncset.done $0x0  }
0xc7: {  	[sflag:s14] =	ssyncadd.s32 $0xFFFFD800  }
0xc8: {  	_ =	sfence.sel $0x180000  }
0xc9: {  	[bflag:$0x0] =	sbarrier.arrive $0xFFFF  }
0xca: {  	p0 =	sne.s32 s1, $0x0;
	_ =	strace $0x90000047  }
0xcb: {  	s0 =	sadd.s32 @!p0 $0x100000, s0;
	[bflag:$0x2] =	sbarrier.arrive $0xFFFF  }
0xcc: {  	[sflag:s0] =	ssyncadd.tile.s32 @!p0 $0x1;
	_ =	shalt  }
.Lfunc_end2:
_tile_overlayer_lowered:
.L_overlay_start_2:
0xcd: {  	(tag) =	ssettag $0x2  }
0xce: {  	s0 =	rddreg [dreg:$0x0];
	s2 =	stileid.u32  }
0xcf: {  	s1 =	rddreg [dreg:$0x1];
	p0 =	sne.s32 s2, $0x0  }
0xd0: {  	s3 =	rddreg [dreg:$0x2];
	[bflag:$0x3] =	sbarrier.arrive $0xFFFF;
	s2 =	simm.s32 @!p0 $0x1C02  }
0xd1: {  	[timem:s3], [sflag:s2] =	dma.local @!p0 [hbm:s0], s1  }
0xd2: {  	s0 =	simm.s32 @!p0 $0x2  }
0xd3: {  	_ =	swait.ge @!p0 [sflag:s0], s1  }
0xd4: {  	s1 =	ssub.s32 @!p0 $0x0, s1;
	[sflag:s0] =	ssyncset.done @!p0 $0x0  }
0xd5: {  	[sflag:s0] =	ssyncadd.s32 @!p0 s1  }
0xd6: {  	[bflag:$0x3] =	sbarrier.arrive $0xFFFF  }
0xd7: {  	_ =	shalt  }

</sc_bundles>
